<compile_context>
chip_gen: v7x
topology: tpu7x:2x2x1
jax: 0.10.2.dev20260603
libtpu: 0.0.44.dev20260713+nightly
codegen_flags: <defaults>
</compile_context>

<pallas_src>
import jax
import jax.numpy as jnp
from jax import lax
from jax.experimental import pallas as pl
from jax.experimental.pallas import tpu as pltpu
from jax.experimental.pallas import tpu_sc as plsc

N = 10000
NPAD = 10240
E = 320000
D = 128
H = 16

NC = 2
NS = 16
NW = NC * NS
EW = E // NW
CHUNK = 2000
ROWS = NPAD // NS

_MESH = plsc.VectorSubcoreMesh(core_axis_name="c", subcore_axis_name="s")
_SC_PARAMS = pltpu.CompilerParams(use_tc_tiling_on_sc=False,
                                  needs_layout_passes=False)


def _deg_body(dst1_hbm, zeros_hbm, out_hbm, dst_v, ones_v, acc, sem):
    c = lax.axis_index("c")
    s = lax.axis_index("s")
    wid = s * NC + c
    zd = pltpu.async_copy(zeros_hbm.at[pl.ds(s * ROWS, ROWS)],
                          acc.at[pl.ds(s * ROWS, ROWS)], sem)
    pltpu.sync_copy(dst1_hbm.at[pl.ds(wid, 1)], dst_v)

    def _fill(i, carry):
        ones_v[pl.ds(i * 16, 16)] = jnp.ones((16,), jnp.float32)
        return carry

    lax.fori_loop(0, EW // 16, _fill, 0)
    zd.wait()
    plsc.subcore_barrier()
    pltpu.sync_copy(ones_v, acc.at[dst_v.at[0]], add=True)
    plsc.subcore_barrier()
    pltpu.sync_copy(acc.at[pl.ds(s * ROWS, ROWS)],
                    out_hbm.at[c, pl.ds(s * ROWS, ROWS)])


def _sc_degree(dst1, zeros1):
    return pl.kernel(
        _deg_body,
        out_type=jax.ShapeDtypeStruct((NC, NPAD), jnp.float32),
        mesh=_MESH,
        compiler_params=_SC_PARAMS,
        scratch_types=[
            pltpu.VMEM((1, EW), jnp.int32),
            pltpu.VMEM((EW,), jnp.float32),
            pltpu.VMEM_SHARED((NPAD,), jnp.float32),
            pltpu.SemaphoreType.DMA,
        ],
    )(dst1, zeros1)


NCH = EW // CHUNK


def _agg16_body(g1_hbm, src5_hbm, dst5_hbm, zeros_hbm, out_hbm,
                src_v, dst_v, rows0, rows1, acc,
                zsem, gsem0, gsem1, ssem0, ssem1):
    c = lax.axis_index("c")
    s = lax.axis_index("s")
    wid = s * NC + c
    zd = pltpu.async_copy(zeros_hbm.at[pl.ds(s * ROWS, ROWS)],
                          acc.at[pl.ds(s * ROWS, ROWS)], zsem)
    pltpu.sync_copy(src5_hbm.at[pl.ds(wid * NCH, NCH)], src_v)
    pltpu.sync_copy(dst5_hbm.at[pl.ds(wid * NCH, NCH)], dst_v)
    zd.wait()
    plsc.subcore_barrier()
    rows = (rows0, rows1)
    gsems = (gsem0, gsem1)
    ssems = (ssem0, ssem1)
    gd = [None] * NCH
    sd = [None] * NCH
    gd[0] = pltpu.async_copy(g1_hbm.at[src_v.at[0]], rows[0], gsems[0])
    for k in range(NCH):
        b = k % 2
        gd[k].wait()
        if k >= 1:
            sd[k - 1].wait()
        sd[k] = pltpu.async_copy(rows[b], acc.at[dst_v.at[k]], ssems[b],
                                 add=True)
        if k + 1 < NCH:
            gd[k + 1] = pltpu.async_copy(g1_hbm.at[src_v.at[k + 1]],
                                         rows[1 - b], gsems[1 - b])
    sd[NCH - 1].wait()
    plsc.subcore_barrier()
    pltpu.sync_copy(acc.at[pl.ds(s * ROWS, ROWS)],
                    out_hbm.at[c, pl.ds(s * ROWS, ROWS)])


def _sc_agg16(g1, src5, dst5, zeros16):
    return pl.kernel(
        _agg16_body,
        out_type=jax.ShapeDtypeStruct((NC, NPAD, H), jnp.float32),
        mesh=_MESH,
        compiler_params=_SC_PARAMS,
        scratch_types=[
            pltpu.VMEM((NCH, CHUNK), jnp.int32),
            pltpu.VMEM((NCH, CHUNK), jnp.int32),
            pltpu.VMEM((CHUNK, H), jnp.float32),
            pltpu.VMEM((CHUNK, H), jnp.float32),
            pltpu.VMEM_SHARED((NPAD, H), jnp.float32),
            pltpu.SemaphoreType.DMA,
            pltpu.SemaphoreType.DMA,
            pltpu.SemaphoreType.DMA,
            pltpu.SemaphoreType.DMA,
            pltpu.SemaphoreType.DMA,
        ],
    )(g1, src5, dst5, zeros16)


def _agg1_body(g2_hbm, src1_hbm, dst1_hbm, zeros_hbm, out_hbm,
               src_v, dst_v, vals_v, g2_v, acc, sem):
    c = lax.axis_index("c")
    s = lax.axis_index("s")
    wid = s * NC + c
    zd = pltpu.async_copy(zeros_hbm.at[pl.ds(s * ROWS, ROWS)],
                          acc.at[pl.ds(s * ROWS, ROWS)], sem)
    pltpu.sync_copy(src1_hbm.at[pl.ds(wid, 1)], src_v)
    pltpu.sync_copy(dst1_hbm.at[pl.ds(wid, 1)], dst_v)
    pltpu.sync_copy(g2_hbm, g2_v)

    def _g(i, carry):
        idx = src_v[0, pl.ds(i * 16, 16)]
        vals_v[pl.ds(i * 16, 16)] = plsc.load_gather(g2_v, [idx])
        return carry

    lax.fori_loop(0, EW // 16, _g, 0)
    zd.wait()
    plsc.subcore_barrier()
    pltpu.sync_copy(vals_v, acc.at[dst_v.at[0]], add=True)
    plsc.subcore_barrier()
    pltpu.sync_copy(acc.at[pl.ds(s * ROWS, ROWS)],
                    out_hbm.at[c, pl.ds(s * ROWS, ROWS)])


def _sc_agg1(g2, src1, dst1, zeros1):
    return pl.kernel(
        _agg1_body,
        out_type=jax.ShapeDtypeStruct((NC, NPAD), jnp.float32),
        mesh=_MESH,
        compiler_params=_SC_PARAMS,
        scratch_types=[
            pltpu.VMEM((1, EW), jnp.int32),
            pltpu.VMEM((1, EW), jnp.int32),
            pltpu.VMEM((EW,), jnp.float32),
            pltpu.VMEM((NPAD,), jnp.float32),
            pltpu.VMEM_SHARED((NPAD,), jnp.float32),
            pltpu.SemaphoreType.DMA,
        ],
    )(g2, src1, dst1, zeros1)


def _tc1_body(deg2_ref, x_ref, w1_ref, g1_ref, dinv_ref):
    deg = deg2_ref[0] + deg2_ref[1] + 1.0
    dinv = lax.rsqrt(deg)
    h1 = jnp.dot(x_ref[...], w1_ref[...], preferred_element_type=jnp.float32)
    g1_ref[:N, :] = h1 * dinv[:N, None]
    g1_ref[N:, :] = jnp.zeros((NPAD - N, H), jnp.float32)
    dinv_ref[...] = dinv[:, None]


def _tc1(deg2, x, W1):
    return pl.pallas_call(
        _tc1_body,
        out_shape=(
            jax.ShapeDtypeStruct((NPAD, H), jnp.float32),
            jax.ShapeDtypeStruct((NPAD, 1), jnp.float32),
        ),
    )(deg2, x, W1)


def _tc2_body(agg_ref, g1_ref, dinv_ref, b1_ref, w2_ref, g2_ref):
    ssum = agg_ref[0] + agg_ref[1] + g1_ref[...]
    out1 = jnp.maximum(dinv_ref[...] * ssum + b1_ref[...], 0.0)
    h2 = jnp.dot(out1, w2_ref[...], preferred_element_type=jnp.float32)
    g2_ref[...] = dinv_ref[...] * h2


def _tc2(agg1, g1, dinv, b1, W2):
    return pl.pallas_call(
        _tc2_body,
        out_shape=jax.ShapeDtypeStruct((NPAD, 1), jnp.float32),
    )(agg1, g1, dinv, b1, W2)


def _tc3_body(agg2_ref, g2_ref, dinv_ref, b2_ref, out_ref):
    ssum = (agg2_ref[0] + agg2_ref[1])[:, None] + g2_ref[...]
    out = dinv_ref[...] * ssum + b2_ref[...]
    out_ref[...] = out[:N, :]


def _tc3(agg2, g2, dinv, b2):
    return pl.pallas_call(
        _tc3_body,
        out_shape=jax.ShapeDtypeStruct((N, 1), jnp.float32),
    )(agg2, g2, dinv, b2)


def kernel(x, edge_index, W1, b1, W2, b2):
    src = edge_index[0]
    dst = edge_index[1]
    src5 = src.reshape(NW * NCH, CHUNK)
    dst5 = dst.reshape(NW * NCH, CHUNK)
    src1 = src.reshape(NW, EW)
    dst1 = dst.reshape(NW, EW)
    zeros16 = jnp.zeros((NPAD, H), jnp.float32)
    zeros1 = jnp.zeros((NPAD,), jnp.float32)

    deg2 = _sc_degree(dst1, zeros1)
    g1, dinv = _tc1(deg2, x, W1)
    agg1 = _sc_agg16(g1, src5, dst5, zeros16)
    g2 = _tc2(agg1, g1, dinv, b1, W2)
    agg2 = _sc_agg1(g2.reshape(NPAD), src1, dst1, zeros1)
    return _tc3(agg2, g2, dinv, b2)

# --- scband reference (transcript-rebuilt; emitter-appended) ---
"""Pipeline reference for scband-gcn-39848706573686 (READ-ONLY COPY).

The authoritative reference and input builder live on the scoring server;
editing this copy changes nothing except your own understanding.
"""

import jax, jax.numpy as jnp
import numpy as np

N = 10000
E = 320000
D = 128
H = 16
O = 1


def setup_inputs(seed: int = 0) -> dict:
    key = jax.random.key(seed)
    k1, k2, k3, k4, k5, k6 = jax.random.split(key, 6)
    x = jax.random.normal(k1, (N, D), dtype=jnp.float32)
    edge_index = jax.random.randint(k2, (2, E), 0, N, dtype=jnp.int32)
    W1 = jax.random.normal(k3, (D, H), dtype=jnp.float32) * (1.0 / np.sqrt(D))
    b1 = jnp.zeros((H,), dtype=jnp.float32)
    W2 = jax.random.normal(k4, (H, O), dtype=jnp.float32) * (1.0 / np.sqrt(H))
    b2 = jnp.zeros((O,), dtype=jnp.float32)
    return {"x": x, "edge_index": edge_index, "W1": W1, "b1": b1, "W2": W2, "b2": b2}


def gcn_conv(x, edge_index, W, b):
    # PyG-style GCNConv: add self-loops, symmetric degree normalization,
    # linear transform, scatter-add aggregation, bias.
    n = x.shape[0]
    loop = jnp.arange(n, dtype=edge_index.dtype)
    src = jnp.concatenate([edge_index[0], loop])
    dst = jnp.concatenate([edge_index[1], loop])
    deg = jnp.zeros((n,), dtype=x.dtype).at[dst].add(1.0)
    dinv = jnp.where(deg > 0, jax.lax.rsqrt(jnp.maximum(deg, 1e-12)), 0.0)
    norm = dinv[src] * dinv[dst]
    h = x @ W
    msg = h[src] * norm[:, None]
    out = jnp.zeros((n, W.shape[1]), dtype=x.dtype).at[dst].add(msg)
    return out + b


def reference(x, edge_index, W1, b1, W2, b2):
    # forward of GCN (eval mode, drop_rate=0.0 so dropout is identity)
    h = gcn_conv(x.astype(jnp.float32), edge_index, W1, b1)
    h = jax.nn.relu(h)
    out = gcn_conv(h, edge_index, W2, b2)
    return out

if __name__ == "__main__":
    import jax
    _d = setup_inputs()
    print(jax.jit(kernel)(*tuple(_d.values())))

</pallas_src>

<mosaic_0001>
#map = affine_map<(d0, d1) -> (0, 0)>
#map1 = affine_map<(d0, d1) -> (0)>
module attributes {stable_mosaic.version = 14 : i64} {
  func.func @_deg_body(%arg0: i32, %arg1: i32, %arg2: memref<32x10000xi32, #tpu.memory_space<hbm>>, %arg3: memref<10240xf32, #tpu.memory_space<hbm>>, %arg4: memref<2x10240xf32, #tpu.memory_space<hbm>>, %arg5: memref<1x10000xi32, #tpu.memory_space<vmem>>, %arg6: memref<10000xf32, #tpu.memory_space<vmem>>, %arg7: memref<10240xf32, #tpu.memory_space<vmem_shared>>, %arg8: memref<!tpu.dma_semaphore, #tpu.memory_space<semaphore_mem>>) attributes {dimension_semantics = [#tpu.dimension_semantics<core_parallel>, #tpu.dimension_semantics<subcore_parallel>], iteration_bounds = array<i64: 2, 16>, scalar_prefetch = 0 : i64, scratch_operands = 4 : i64, tpu.core_type = #tpu.core_type<sc_vector_subcore>, window_params = [{transform_indices = #map}, {transform_indices = #map1}, {transform_indices = #map}]} {
    %mul3A = arith.constant 2 : i32
    %mul3A_0 = arith.muli %arg1, %mul3A : i32
    %add3A = arith.addi %mul3A_0, %arg0 : i32
    %mul3A_1 = arith.constant 640 : i32
    %mul3A_2 = arith.muli %arg1, %mul3A_1 : i32
    %mul3A_3 = arith.constant 640 : i32
    %mul3A_4 = arith.muli %arg1, %mul3A_3 : i32
    %dma_start3A = tpu.memref_slice %arg7[%mul3A_4] : memref<10240xf32, #tpu.memory_space<vmem_shared>> -> memref<640xf32, #tpu.memory_space<vmem_shared>>
    %dma_start3A_5 = tpu.memref_slice %arg3[%mul3A_2] : memref<10240xf32, #tpu.memory_space<hbm>> -> memref<640xf32, #tpu.memory_space<hbm>>
    tpu.enqueue_dma source(%dma_start3A_5 : memref<640xf32, #tpu.memory_space<hbm>>) target(%dma_start3A : memref<640xf32, #tpu.memory_space<vmem_shared>>) target_semaphore(%arg8 : memref<!tpu.dma_semaphore, #tpu.memory_space<semaphore_mem>>)
    "tpu.region"() ({
      %run_scoped3A_17 = tpu.sem_alloc : memref<!tpu.dma_semaphore, #tpu.memory_space<semaphore_mem>>
      %dma_start3A_18 = arith.constant 0 : i32
      %dma_start3A_19 = tpu.memref_slice %arg2[%add3A, %dma_start3A_18] : memref<32x10000xi32, #tpu.memory_space<hbm>> -> memref<1x10000xi32, #tpu.memory_space<hbm>>
      %dma_start3A_20 = arith.constant 0 : i32
      %dma_start3A_21 = tpu.memref_slice %arg2[%add3A, %dma_start3A_20] : memref<32x10000xi32, #tpu.memory_space<hbm>> -> memref<1x10000xi32, #tpu.memory_space<hbm>>
      tpu.enqueue_dma source(%dma_start3A_21 : memref<1x10000xi32, #tpu.memory_space<hbm>>) target(%arg5 : memref<1x10000xi32, #tpu.memory_space<vmem>>) target_semaphore(%run_scoped3A_17 : memref<!tpu.dma_semaphore, #tpu.memory_space<semaphore_mem>>)
      %dma_wait3A_22 = arith.constant 0 : i32
      %dma_wait3A_23 = tpu.memref_slice %arg2[%add3A, %dma_wait3A_22] : memref<32x10000xi32, #tpu.memory_space<hbm>> -> memref<1x10000xi32, #tpu.memory_space<hbm>>
      %dma_wait3A_24 = arith.constant 0 : i32
      %dma_wait3A_25 = tpu.memref_slice %arg2[%add3A, %dma_wait3A_24] : memref<32x10000xi32, #tpu.memory_space<hbm>> -> memref<1x10000xi32, #tpu.memory_space<hbm>>
      tpu.wait_dma2 semaphore(%run_scoped3A_17 : memref<!tpu.dma_semaphore, #tpu.memory_space<semaphore_mem>>) src(%dma_wait3A_25 : memref<1x10000xi32, #tpu.memory_space<hbm>>) dst(%arg5 : memref<1x10000xi32, #tpu.memory_space<vmem>>)
      tpu.yield
    }) : () -> ()
    %scan3A = arith.constant 0 : i32
    %scan3A_6 = arith.constant 0 : i32
    %scan3A_7 = arith.constant 625 : i32
    %scan3A_8 = arith.addi %scan3A_6, %scan3A_7 : i32
    %scan3A_9 = arith.constant 1 : i32
    scf.for %scan3A_17 = %scan3A_6 to %scan3A_8 step %scan3A_9  : i32 {
      %broadcast_in_dim3A = arith.constant 1.000000e+00 : f32
      %broadcast_in_dim3A_18 = vector.broadcast %broadcast_in_dim3A : f32 to vector<16xf32>
      %mul3A_19 = arith.constant 16 : i32
      %mul3A_20 = arith.muli %scan3A_17, %mul3A_19 : i32
      %swap3A = arith.index_cast %mul3A_20 : i32 to index
      %swap3A_21 = tpu.vector_load %arg6[%swap3A] {strides = array<i32>} : memref<10000xf32, #tpu.memory_space<vmem>>, vector<16xf32>,
      tpu.vector_store %arg6[%swap3A], %broadcast_in_dim3A_18 {strides = array<i32>} : memref<10000xf32, #tpu.memory_space<vmem>>, vector<16xf32>,
    }
    %scan3A_10 = arith.constant 625 : i32
    %dma_wait3A = tpu.memref_slice %arg7[%mul3A_4] : memref<10240xf32, #tpu.memory_space<vmem_shared>> -> memref<640xf32, #tpu.memory_space<vmem_shared>>
    %dma_wait3A_11 = tpu.memref_slice %arg3[%mul3A_2] : memref<10240xf32, #tpu.memory_space<hbm>> -> memref<640xf32, #tpu.memory_space<hbm>>
    tpu.wait_dma2 semaphore(%arg8 : memref<!tpu.dma_semaphore, #tpu.memory_space<semaphore_mem>>) src(%dma_wait3A_11 : memref<640xf32, #tpu.memory_space<hbm>>) dst(%dma_wait3A : memref<640xf32, #tpu.memory_space<vmem_shared>>)
    %barrier3A = arith.constant 0 : index
    tpu.barrier barrier_id(%barrier3A)
    %run_scoped3A = arith.constant 0 : i32
    "tpu.region"() ({
      %run_scoped3A_17 = tpu.sem_alloc : memref<!tpu.dma_semaphore, #tpu.memory_space<semaphore_mem>>
      %dma_start3A_18 = arith.constant 0 : i32
      %dma_start3A_19 = tpu.memref_slice %arg5[%run_scoped3A, %dma_start3A_18] : memref<1x10000xi32, #tpu.memory_space<vmem>> -> memref<1x10000xi32, #tpu.memory_space<vmem>>
      %dma_start3A_20 = tpu.memref_squeeze %dma_start3A_19 : memref<1x10000xi32, #tpu.memory_space<vmem>> -> memref<10000xi32, #tpu.memory_space<vmem>>
      %dma_start3A_21 = arith.constant 0 : i32
      %dma_start3A_22 = tpu.memref_slice %arg7[%dma_start3A_21] : memref<10240xf32, #tpu.memory_space<vmem_shared>> -> memref<10240xf32, #tpu.memory_space<vmem_shared>>
      tpu.enqueue_indirect_dma source(%arg6 : memref<10000xf32, #tpu.memory_space<vmem>>) target(%dma_start3A_22 : memref<10240xf32, #tpu.memory_space<vmem_shared>>) offsets(%dma_start3A_20 : memref<10000xi32, #tpu.memory_space<vmem>>) semaphore(%run_scoped3A_17 : memref<!tpu.dma_semaphore, #tpu.memory_space<semaphore_mem>>) {add = true}
      %dma_wait3A_23 = arith.constant 0 : i32
      %dma_wait3A_24 = tpu.memref_slice %arg5[%run_scoped3A, %dma_wait3A_23] : memref<1x10000xi32, #tpu.memory_space<vmem>> -> memref<1x10000xi32, #tpu.memory_space<vmem>>
      %dma_wait3A_25 = tpu.memref_squeeze %dma_wait3A_24 : memref<1x10000xi32, #tpu.memory_space<vmem>> -> memref<10000xi32, #tpu.memory_space<vmem>>
      %dma_wait3A_26 = arith.constant 0 : i32
      %dma_wait3A_27 = tpu.memref_slice %arg7[%dma_wait3A_26] : memref<10240xf32, #tpu.memory_space<vmem_shared>> -> memref<10240xf32, #tpu.memory_space<vmem_shared>>
      tpu.wait_indirect_dma semaphore(%run_scoped3A_17 : memref<!tpu.dma_semaphore, #tpu.memory_space<semaphore_mem>>) src(%arg6 : memref<10000xf32, #tpu.memory_space<vmem>>) dst(%dma_wait3A_27 : memref<10240xf32, #tpu.memory_space<vmem_shared>>)
      tpu.yield
    }) : () -> ()
    %barrier3A_12 = arith.constant 0 : index
    tpu.barrier barrier_id(%barrier3A_12)
    %mul3A_13 = arith.constant 640 : i32
    %mul3A_14 = arith.muli %arg1, %mul3A_13 : i32
    %mul3A_15 = arith.constant 640 : i32
    %mul3A_16 = arith.muli %arg1, %mul3A_15 : i32
    "tpu.region"() ({
      %run_scoped3A_17 = tpu.sem_alloc : memref<!tpu.dma_semaphore, #tpu.memory_space<semaphore_mem>>
      %dma_start3A_18 = tpu.memref_slice %arg4[%arg0, %mul3A_16] : memref<2x10240xf32, #tpu.memory_space<hbm>> -> memref<1x640xf32, #tpu.memory_space<hbm>>
      %dma_start3A_19 = tpu.memref_squeeze %dma_start3A_18 : memref<1x640xf32, #tpu.memory_space<hbm>> -> memref<640xf32, #tpu.memory_space<hbm>>
      %dma_start3A_20 = tpu.memref_slice %arg7[%mul3A_14] : memref<10240xf32, #tpu.memory_space<vmem_shared>> -> memref<640xf32, #tpu.memory_space<vmem_shared>>
      tpu.enqueue_dma source(%dma_start3A_20 : memref<640xf32, #tpu.memory_space<vmem_shared>>) target(%dma_start3A_19 : memref<640xf32, #tpu.memory_space<hbm>>) target_semaphore(%run_scoped3A_17 : memref<!tpu.dma_semaphore, #tpu.memory_space<semaphore_mem>>)
      %dma_wait3A_21 = tpu.memref_slice %arg4[%arg0, %mul3A_16] : memref<2x10240xf32, #tpu.memory_space<hbm>> -> memref<1x640xf32, #tpu.memory_space<hbm>>
      %dma_wait3A_22 = tpu.memref_squeeze %dma_wait3A_21 : memref<1x640xf32, #tpu.memory_space<hbm>> -> memref<640xf32, #tpu.memory_space<hbm>>
      %dma_wait3A_23 = tpu.memref_slice %arg7[%mul3A_14] : memref<10240xf32, #tpu.memory_space<vmem_shared>> -> memref<640xf32, #tpu.memory_space<vmem_shared>>
      tpu.wait_dma2 semaphore(%run_scoped3A_17 : memref<!tpu.dma_semaphore, #tpu.memory_space<semaphore_mem>>) src(%dma_wait3A_23 : memref<640xf32, #tpu.memory_space<vmem_shared>>) dst(%dma_wait3A_22 : memref<640xf32, #tpu.memory_space<hbm>>)
      tpu.yield
    }) : () -> ()
    return
  }
}

#map = affine_map<(d0, d1) -> (0)>
#map1 = affine_map<(d0, d1) -> (0, 0)>
module attributes {stable_mosaic.version = 14 : i64} {
  func.func @_agg1_body(%arg0: i32, %arg1: i32, %arg2: memref<10240xf32, #tpu.memory_space<hbm>>, %arg3: memref<32x10000xi32, #tpu.memory_space<hbm>>, %arg4: memref<32x10000xi32, #tpu.memory_space<hbm>>, %arg5: memref<10240xf32, #tpu.memory_space<hbm>>, %arg6: memref<2x10240xf32, #tpu.memory_space<hbm>>, %arg7: memref<1x10000xi32, #tpu.memory_space<vmem>>, %arg8: memref<1x10000xi32, #tpu.memory_space<vmem>>, %arg9: memref<10000xf32, #tpu.memory_space<vmem>>, %arg10: memref<10240xf32, #tpu.memory_space<vmem>>, %arg11: memref<10240xf32, #tpu.memory_space<vmem_shared>>, %arg12: memref<!tpu.dma_semaphore, #tpu.memory_space<semaphore_mem>>) attributes {dimension_semantics = [#tpu.dimension_semantics<core_parallel>, #tpu.dimension_semantics<subcore_parallel>], iteration_bounds = array<i64: 2, 16>, scalar_prefetch = 0 : i64, scratch_operands = 6 : i64, tpu.core_type = #tpu.core_type<sc_vector_subcore>, window_params = [{transform_indices = #map}, {transform_indices = #map1}, {transform_indices = #map1}, {transform_indices = #map}, {transform_indices = #map1}]} {
    %mul3A = arith.constant 2 : i32
    %mul3A_0 = arith.muli %arg1, %mul3A : i32
    %add3A = arith.addi %mul3A_0, %arg0 : i32
    %mul3A_1 = arith.constant 640 : i32
    %mul3A_2 = arith.muli %arg1, %mul3A_1 : i32
    %mul3A_3 = arith.constant 640 : i32
    %mul3A_4 = arith.muli %arg1, %mul3A_3 : i32
    %dma_start3A = tpu.memref_slice %arg11[%mul3A_4] : memref<10240xf32, #tpu.memory_space<vmem_shared>> -> memref<640xf32, #tpu.memory_space<vmem_shared>>
    %dma_start3A_5 = tpu.memref_slice %arg5[%mul3A_2] : memref<10240xf32, #tpu.memory_space<hbm>> -> memref<640xf32, #tpu.memory_space<hbm>>
    tpu.enqueue_dma source(%dma_start3A_5 : memref<640xf32, #tpu.memory_space<hbm>>) target(%dma_start3A : memref<640xf32, #tpu.memory_space<vmem_shared>>) target_semaphore(%arg12 : memref<!tpu.dma_semaphore, #tpu.memory_space<semaphore_mem>>)
    "tpu.region"() ({
      %run_scoped3A_17 = tpu.sem_alloc : memref<!tpu.dma_semaphore, #tpu.memory_space<semaphore_mem>>
      %dma_start3A_18 = arith.constant 0 : i32
      %dma_start3A_19 = tpu.memref_slice %arg3[%add3A, %dma_start3A_18] : memref<32x10000xi32, #tpu.memory_space<hbm>> -> memref<1x10000xi32, #tpu.memory_space<hbm>>
      %dma_start3A_20 = arith.constant 0 : i32
      %dma_start3A_21 = tpu.memref_slice %arg3[%add3A, %dma_start3A_20] : memref<32x10000xi32, #tpu.memory_space<hbm>> -> memref<1x10000xi32, #tpu.memory_space<hbm>>
      tpu.enqueue_dma source(%dma_start3A_21 : memref<1x10000xi32, #tpu.memory_space<hbm>>) target(%arg7 : memref<1x10000xi32, #tpu.memory_space<vmem>>) target_semaphore(%run_scoped3A_17 : memref<!tpu.dma_semaphore, #tpu.memory_space<semaphore_mem>>)
      %dma_wait3A_22 = arith.constant 0 : i32
      %dma_wait3A_23 = tpu.memref_slice %arg3[%add3A, %dma_wait3A_22] : memref<32x10000xi32, #tpu.memory_space<hbm>> -> memref<1x10000xi32, #tpu.memory_space<hbm>>
      %dma_wait3A_24 = arith.constant 0 : i32
      %dma_wait3A_25 = tpu.memref_slice %arg3[%add3A, %dma_wait3A_24] : memref<32x10000xi32, #tpu.memory_space<hbm>> -> memref<1x10000xi32, #tpu.memory_space<hbm>>
      tpu.wait_dma2 semaphore(%run_scoped3A_17 : memref<!tpu.dma_semaphore, #tpu.memory_space<semaphore_mem>>) src(%dma_wait3A_25 : memref<1x10000xi32, #tpu.memory_space<hbm>>) dst(%arg7 : memref<1x10000xi32, #tpu.memory_space<vmem>>)
      tpu.yield
    }) : () -> ()
    "tpu.region"() ({
      %run_scoped3A_17 = tpu.sem_alloc : memref<!tpu.dma_semaphore, #tpu.memory_space<semaphore_mem>>
      %dma_start3A_18 = arith.constant 0 : i32
      %dma_start3A_19 = tpu.memref_slice %arg4[%add3A, %dma_start3A_18] : memref<32x10000xi32, #tpu.memory_space<hbm>> -> memref<1x10000xi32, #tpu.memory_space<hbm>>
      %dma_start3A_20 = arith.constant 0 : i32
      %dma_start3A_21 = tpu.memref_slice %arg4[%add3A, %dma_start3A_20] : memref<32x10000xi32, #tpu.memory_space<hbm>> -> memref<1x10000xi32, #tpu.memory_space<hbm>>
      tpu.enqueue_dma source(%dma_start3A_21 : memref<1x10000xi32, #tpu.memory_space<hbm>>) target(%arg8 : memref<1x10000xi32, #tpu.memory_space<vmem>>) target_semaphore(%run_scoped3A_17 : memref<!tpu.dma_semaphore, #tpu.memory_space<semaphore_mem>>)
      %dma_wait3A_22 = arith.constant 0 : i32
      %dma_wait3A_23 = tpu.memref_slice %arg4[%add3A, %dma_wait3A_22] : memref<32x10000xi32, #tpu.memory_space<hbm>> -> memref<1x10000xi32, #tpu.memory_space<hbm>>
      %dma_wait3A_24 = arith.constant 0 : i32
      %dma_wait3A_25 = tpu.memref_slice %arg4[%add3A, %dma_wait3A_24] : memref<32x10000xi32, #tpu.memory_space<hbm>> -> memref<1x10000xi32, #tpu.memory_space<hbm>>
      tpu.wait_dma2 semaphore(%run_scoped3A_17 : memref<!tpu.dma_semaphore, #tpu.memory_space<semaphore_mem>>) src(%dma_wait3A_25 : memref<1x10000xi32, #tpu.memory_space<hbm>>) dst(%arg8 : memref<1x10000xi32, #tpu.memory_space<vmem>>)
      tpu.yield
    }) : () -> ()
    "tpu.region"() ({
      %run_scoped3A_17 = tpu.sem_alloc : memref<!tpu.dma_semaphore, #tpu.memory_space<semaphore_mem>>
      tpu.enqueue_dma source(%arg2 : memref<10240xf32, #tpu.memory_space<hbm>>) target(%arg10 : memref<10240xf32, #tpu.memory_space<vmem>>) target_semaphore(%run_scoped3A_17 : memref<!tpu.dma_semaphore, #tpu.memory_space<semaphore_mem>>)
      tpu.wait_dma2 semaphore(%run_scoped3A_17 : memref<!tpu.dma_semaphore, #tpu.memory_space<semaphore_mem>>) src(%arg2 : memref<10240xf32, #tpu.memory_space<hbm>>) dst(%arg10 : memref<10240xf32, #tpu.memory_space<vmem>>)
      tpu.yield
    }) : () -> ()
    %scan3A = arith.constant 0 : i32
    %scan3A_6 = arith.constant 0 : i32
    %scan3A_7 = arith.constant 625 : i32
    %scan3A_8 = arith.addi %scan3A_6, %scan3A_7 : i32
    %scan3A_9 = arith.constant 1 : i32
    scf.for %scan3A_17 = %scan3A_6 to %scan3A_8 step %scan3A_9  : i32 {
      %mul3A_18 = arith.constant 16 : i32
      %mul3A_19 = arith.muli %scan3A_17, %mul3A_18 : i32
      %get3A = arith.constant 0 : i32
      %get3A_20 = arith.index_cast %get3A : i32 to index
      %get3A_21 = arith.index_cast %mul3A_19 : i32 to index
      %get3A_22 = tpu.vector_load %arg7[%get3A_20, %get3A_21] {strides = array<i32>} : memref<1x10000xi32, #tpu.memory_space<vmem>>, vector<16xi32>,
      %gather3A = tpu.vector_load_idx %arg10[%get3A_22] : memref<10240xf32, #tpu.memory_space<vmem>>[vector<16xi32>], vector<16xf32>,
      %mul3A_23 = arith.constant 16 : i32
      %mul3A_24 = arith.muli %scan3A_17, %mul3A_23 : i32
      %swap3A = arith.index_cast %mul3A_24 : i32 to index
      %swap3A_25 = tpu.vector_load %arg9[%swap3A] {strides = array<i32>} : memref<10000xf32, #tpu.memory_space<vmem>>, vector<16xf32>,
      tpu.vector_store %arg9[%swap3A], %gather3A {strides = array<i32>} : memref<10000xf32, #tpu.memory_space<vmem>>, vector<16xf32>,
    }
    %scan3A_10 = arith.constant 625 : i32
    %dma_wait3A = tpu.memref_slice %arg11[%mul3A_4] : memref<10240xf32, #tpu.memory_space<vmem_shared>> -> memref<640xf32, #tpu.memory_space<vmem_shared>>
    %dma_wait3A_11 = tpu.memref_slice %arg5[%mul3A_2] : memref<10240xf32, #tpu.memory_space<hbm>> -> memref<640xf32, #tpu.memory_space<hbm>>
    tpu.wait_dma2 semaphore(%arg12 : memref<!tpu.dma_semaphore, #tpu.memory_space<semaphore_mem>>) src(%dma_wait3A_11 : memref<640xf32, #tpu.memory_space<hbm>>) dst(%dma_wait3A : memref<640xf32, #tpu.memory_space<vmem_shared>>)
    %barrier3A = arith.constant 0 : index
    tpu.barrier barrier_id(%barrier3A)
    %run_scoped3A = arith.constant 0 : i32
    "tpu.region"() ({
      %run_scoped3A_17 = tpu.sem_alloc : memref<!tpu.dma_semaphore, #tpu.memory_space<semaphore_mem>>
      %dma_start3A_18 = arith.constant 0 : i32
      %dma_start3A_19 = tpu.memref_slice %arg8[%run_scoped3A, %dma_start3A_18] : memref<1x10000xi32, #tpu.memory_space<vmem>> -> memref<1x10000xi32, #tpu.memory_space<vmem>>
      %dma_start3A_20 = tpu.memref_squeeze %dma_start3A_19 : memref<1x10000xi32, #tpu.memory_space<vmem>> -> memref<10000xi32, #tpu.memory_space<vmem>>
      %dma_start3A_21 = arith.constant 0 : i32
      %dma_start3A_22 = tpu.memref_slice %arg11[%dma_start3A_21] : memref<10240xf32, #tpu.memory_space<vmem_shared>> -> memref<10240xf32, #tpu.memory_space<vmem_shared>>
      tpu.enqueue_indirect_dma source(%arg9 : memref<10000xf32, #tpu.memory_space<vmem>>) target(%dma_start3A_22 : memref<10240xf32, #tpu.memory_space<vmem_shared>>) offsets(%dma_start3A_20 : memref<10000xi32, #tpu.memory_space<vmem>>) semaphore(%run_scoped3A_17 : memref<!tpu.dma_semaphore, #tpu.memory_space<semaphore_mem>>) {add = true}
      %dma_wait3A_23 = arith.constant 0 : i32
      %dma_wait3A_24 = tpu.memref_slice %arg8[%run_scoped3A, %dma_wait3A_23] : memref<1x10000xi32, #tpu.memory_space<vmem>> -> memref<1x10000xi32, #tpu.memory_space<vmem>>
      %dma_wait3A_25 = tpu.memref_squeeze %dma_wait3A_24 : memref<1x10000xi32, #tpu.memory_space<vmem>> -> memref<10000xi32, #tpu.memory_space<vmem>>
      %dma_wait3A_26 = arith.constant 0 : i32
      %dma_wait3A_27 = tpu.memref_slice %arg11[%dma_wait3A_26] : memref<10240xf32, #tpu.memory_space<vmem_shared>> -> memref<10240xf32, #tpu.memory_space<vmem_shared>>
      tpu.wait_indirect_dma semaphore(%run_scoped3A_17 : memref<!tpu.dma_semaphore, #tpu.memory_space<semaphore_mem>>) src(%arg9 : memref<10000xf32, #tpu.memory_space<vmem>>) dst(%dma_wait3A_27 : memref<10240xf32, #tpu.memory_space<vmem_shared>>)
      tpu.yield
    }) : () -> ()
    %barrier3A_12 = arith.constant 0 : index
    tpu.barrier barrier_id(%barrier3A_12)
    %mul3A_13 = arith.constant 640 : i32
    %mul3A_14 = arith.muli %arg1, %mul3A_13 : i32
    %mul3A_15 = arith.constant 640 : i32
    %mul3A_16 = arith.muli %arg1, %mul3A_15 : i32
    "tpu.region"() ({
      %run_scoped3A_17 = tpu.sem_alloc : memref<!tpu.dma_semaphore, #tpu.memory_space<semaphore_mem>>
      %dma_start3A_18 = tpu.memref_slice %arg6[%arg0, %mul3A_16] : memref<2x10240xf32, #tpu.memory_space<hbm>> -> memref<1x640xf32, #tpu.memory_space<hbm>>
      %dma_start3A_19 = tpu.memref_squeeze %dma_start3A_18 : memref<1x640xf32, #tpu.memory_space<hbm>> -> memref<640xf32, #tpu.memory_space<hbm>>
      %dma_start3A_20 = tpu.memref_slice %arg11[%mul3A_14] : memref<10240xf32, #tpu.memory_space<vmem_shared>> -> memref<640xf32, #tpu.memory_space<vmem_shared>>
      tpu.enqueue_dma source(%dma_start3A_20 : memref<640xf32, #tpu.memory_space<vmem_shared>>) target(%dma_start3A_19 : memref<640xf32, #tpu.memory_space<hbm>>) target_semaphore(%run_scoped3A_17 : memref<!tpu.dma_semaphore, #tpu.memory_space<semaphore_mem>>)
      %dma_wait3A_21 = tpu.memref_slice %arg6[%arg0, %mul3A_16] : memref<2x10240xf32, #tpu.memory_space<hbm>> -> memref<1x640xf32, #tpu.memory_space<hbm>>
      %dma_wait3A_22 = tpu.memref_squeeze %dma_wait3A_21 : memref<1x640xf32, #tpu.memory_space<hbm>> -> memref<640xf32, #tpu.memory_space<hbm>>
      %dma_wait3A_23 = tpu.memref_slice %arg11[%mul3A_14] : memref<10240xf32, #tpu.memory_space<vmem_shared>> -> memref<640xf32, #tpu.memory_space<vmem_shared>>
      tpu.wait_dma2 semaphore(%run_scoped3A_17 : memref<!tpu.dma_semaphore, #tpu.memory_space<semaphore_mem>>) src(%dma_wait3A_23 : memref<640xf32, #tpu.memory_space<vmem_shared>>) dst(%dma_wait3A_22 : memref<640xf32, #tpu.memory_space<hbm>>)
      tpu.yield
    }) : () -> ()
    return
  }
}

#map = affine_map<(d0, d1) -> (0, 0)>
#map1 = affine_map<(d0, d1) -> (0, 0, 0)>
module attributes {stable_mosaic.version = 14 : i64} {
  func.func @_agg16_body(%arg0: i32, %arg1: i32, %arg2: memref<10240x16xf32, #tpu.memory_space<hbm>>, %arg3: memref<160x2000xi32, #tpu.memory_space<hbm>>, %arg4: memref<160x2000xi32, #tpu.memory_space<hbm>>, %arg5: memref<10240x16xf32, #tpu.memory_space<hbm>>, %arg6: memref<2x10240x16xf32, #tpu.memory_space<hbm>>, %arg7: memref<5x2000xi32, #tpu.memory_space<vmem>>, %arg8: memref<5x2000xi32, #tpu.memory_space<vmem>>, %arg9: memref<2000x16xf32, #tpu.memory_space<vmem>>, %arg10: memref<2000x16xf32, #tpu.memory_space<vmem>>, %arg11: memref<10240x16xf32, #tpu.memory_space<vmem_shared>>, %arg12: memref<!tpu.dma_semaphore, #tpu.memory_space<semaphore_mem>>, %arg13: memref<!tpu.dma_semaphore, #tpu.memory_space<semaphore_mem>>, %arg14: memref<!tpu.dma_semaphore, #tpu.memory_space<semaphore_mem>>, %arg15: memref<!tpu.dma_semaphore, #tpu.memory_space<semaphore_mem>>, %arg16: memref<!tpu.dma_semaphore, #tpu.memory_space<semaphore_mem>>) attributes {dimension_semantics = [#tpu.dimension_semantics<core_parallel>, #tpu.dimension_semantics<subcore_parallel>], iteration_bounds = array<i64: 2, 16>, scalar_prefetch = 0 : i64, scratch_operands = 10 : i64, tpu.core_type = #tpu.core_type<sc_vector_subcore>, window_params = [{transform_indices = #map}, {transform_indices = #map}, {transform_indices = #map}, {transform_indices = #map}, {transform_indices = #map1}]} {
    %mul3A = arith.constant 2 : i32
    %mul3A_0 = arith.muli %arg1, %mul3A : i32
    %add3A = arith.addi %mul3A_0, %arg0 : i32
    %mul3A_1 = arith.constant 640 : i32
    %mul3A_2 = arith.muli %arg1, %mul3A_1 : i32
    %mul3A_3 = arith.constant 640 : i32
    %mul3A_4 = arith.muli %arg1, %mul3A_3 : i32
    %dma_start3A = arith.constant 0 : i32
    %dma_start3A_5 = tpu.memref_slice %arg11[%mul3A_4, %dma_start3A] : memref<10240x16xf32, #tpu.memory_space<vmem_shared>> -> memref<640x16xf32, #tpu.memory_space<vmem_shared>>
    %dma_start3A_6 = arith.constant 0 : i32
    %dma_start3A_7 = tpu.memref_slice %arg5[%mul3A_2, %dma_start3A_6] : memref<10240x16xf32, #tpu.memory_space<hbm>> -> memref<640x16xf32, #tpu.memory_space<hbm>>
    tpu.enqueue_dma source(%dma_start3A_7 : memref<640x16xf32, #tpu.memory_space<hbm>>) target(%dma_start3A_5 : memref<640x16xf32, #tpu.memory_space<vmem_shared>>) target_semaphore(%arg12 : memref<!tpu.dma_semaphore, #tpu.memory_space<semaphore_mem>>)
    %mul3A_8 = arith.constant 5 : i32
    %mul3A_9 = arith.muli %add3A, %mul3A_8 : i32
    "tpu.region"() ({
      %run_scoped3A = tpu.sem_alloc : memref<!tpu.dma_semaphore, #tpu.memory_space<semaphore_mem>>
      %dma_start3A_160 = arith.constant 0 : i32
      %dma_start3A_161 = tpu.memref_slice %arg3[%mul3A_9, %dma_start3A_160] : memref<160x2000xi32, #tpu.memory_space<hbm>> -> memref<5x2000xi32, #tpu.memory_space<hbm>>
      %dma_start3A_162 = arith.constant 0 : i32
      %dma_start3A_163 = tpu.memref_slice %arg3[%mul3A_9, %dma_start3A_162] : memref<160x2000xi32, #tpu.memory_space<hbm>> -> memref<5x2000xi32, #tpu.memory_space<hbm>>
      tpu.enqueue_dma source(%dma_start3A_163 : memref<5x2000xi32, #tpu.memory_space<hbm>>) target(%arg7 : memref<5x2000xi32, #tpu.memory_space<vmem>>) target_semaphore(%run_scoped3A : memref<!tpu.dma_semaphore, #tpu.memory_space<semaphore_mem>>)
      %dma_wait3A_164 = arith.constant 0 : i32
      %dma_wait3A_165 = tpu.memref_slice %arg3[%mul3A_9, %dma_wait3A_164] : memref<160x2000xi32, #tpu.memory_space<hbm>> -> memref<5x2000xi32, #tpu.memory_space<hbm>>
      %dma_wait3A_166 = arith.constant 0 : i32
      %dma_wait3A_167 = tpu.memref_slice %arg3[%mul3A_9, %dma_wait3A_166] : memref<160x2000xi32, #tpu.memory_space<hbm>> -> memref<5x2000xi32, #tpu.memory_space<hbm>>
      tpu.wait_dma2 semaphore(%run_scoped3A : memref<!tpu.dma_semaphore, #tpu.memory_space<semaphore_mem>>) src(%dma_wait3A_167 : memref<5x2000xi32, #tpu.memory_space<hbm>>) dst(%arg7 : memref<5x2000xi32, #tpu.memory_space<vmem>>)
      tpu.yield
    }) : () -> ()
    %mul3A_10 = arith.constant 5 : i32
    %mul3A_11 = arith.muli %add3A, %mul3A_10 : i32
    "tpu.region"() ({
      %run_scoped3A = tpu.sem_alloc : memref<!tpu.dma_semaphore, #tpu.memory_space<semaphore_mem>>
      %dma_start3A_160 = arith.constant 0 : i32
      %dma_start3A_161 = tpu.memref_slice %arg4[%mul3A_11, %dma_start3A_160] : memref<160x2000xi32, #tpu.memory_space<hbm>> -> memref<5x2000xi32, #tpu.memory_space<hbm>>
      %dma_start3A_162 = arith.constant 0 : i32
      %dma_start3A_163 = tpu.memref_slice %arg4[%mul3A_11, %dma_start3A_162] : memref<160x2000xi32, #tpu.memory_space<hbm>> -> memref<5x2000xi32, #tpu.memory_space<hbm>>
      tpu.enqueue_dma source(%dma_start3A_163 : memref<5x2000xi32, #tpu.memory_space<hbm>>) target(%arg8 : memref<5x2000xi32, #tpu.memory_space<vmem>>) target_semaphore(%run_scoped3A : memref<!tpu.dma_semaphore, #tpu.memory_space<semaphore_mem>>)
      %dma_wait3A_164 = arith.constant 0 : i32
      %dma_wait3A_165 = tpu.memref_slice %arg4[%mul3A_11, %dma_wait3A_164] : memref<160x2000xi32, #tpu.memory_space<hbm>> -> memref<5x2000xi32, #tpu.memory_space<hbm>>
      %dma_wait3A_166 = arith.constant 0 : i32
      %dma_wait3A_167 = tpu.memref_slice %arg4[%mul3A_11, %dma_wait3A_166] : memref<160x2000xi32, #tpu.memory_space<hbm>> -> memref<5x2000xi32, #tpu.memory_space<hbm>>
      tpu.wait_dma2 semaphore(%run_scoped3A : memref<!tpu.dma_semaphore, #tpu.memory_space<semaphore_mem>>) src(%dma_wait3A_167 : memref<5x2000xi32, #tpu.memory_space<hbm>>) dst(%arg8 : memref<5x2000xi32, #tpu.memory_space<vmem>>)
      tpu.yield
    }) : () -> ()
    %dma_wait3A = arith.constant 0 : i32
    %dma_wait3A_12 = tpu.memref_slice %arg11[%mul3A_4, %dma_wait3A] : memref<10240x16xf32, #tpu.memory_space<vmem_shared>> -> memref<640x16xf32, #tpu.memory_space<vmem_shared>>
    %dma_wait3A_13 = arith.constant 0 : i32
    %dma_wait3A_14 = tpu.memref_slice %arg5[%mul3A_2, %dma_wait3A_13] : memref<10240x16xf32, #tpu.memory_space<hbm>> -> memref<640x16xf32, #tpu.memory_space<hbm>>
    tpu.wait_dma2 semaphore(%arg12 : memref<!tpu.dma_semaphore, #tpu.memory_space<semaphore_mem>>) src(%dma_wait3A_14 : memref<640x16xf32, #tpu.memory_space<hbm>>) dst(%dma_wait3A_12 : memref<640x16xf32, #tpu.memory_space<vmem_shared>>)
    %barrier3A = arith.constant 0 : index
    tpu.barrier barrier_id(%barrier3A)
    %dma_start3A_15 = arith.constant 0 : i32
    %dma_start3A_16 = arith.constant 0 : i32
    %dma_start3A_17 = tpu.memref_slice %arg7[%dma_start3A_15, %dma_start3A_16] : memref<5x2000xi32, #tpu.memory_space<vmem>> -> memref<1x2000xi32, #tpu.memory_space<vmem>>
    %dma_start3A_18 = tpu.memref_squeeze %dma_start3A_17 : memref<1x2000xi32, #tpu.memory_space<vmem>> -> memref<2000xi32, #tpu.memory_space<vmem>>
    %dma_start3A_19 = arith.constant 0 : i32
    %dma_start3A_20 = arith.constant 0 : i32
    %dma_start3A_21 = tpu.memref_slice %arg2[%dma_start3A_19, %dma_start3A_20] : memref<10240x16xf32, #tpu.memory_space<hbm>> -> memref<10240x16xf32, #tpu.memory_space<hbm>>
    tpu.enqueue_indirect_dma source(%dma_start3A_21 : memref<10240x16xf32, #tpu.memory_space<hbm>>) target(%arg9 : memref<2000x16xf32, #tpu.memory_space<vmem>>) offsets(%dma_start3A_18 : memref<2000xi32, #tpu.memory_space<vmem>>) semaphore(%arg13 : memref<!tpu.dma_semaphore, #tpu.memory_space<semaphore_mem>>)
    %dma_wait3A_22 = arith.constant 0 : i32
    %dma_wait3A_23 = arith.constant 0 : i32
    %dma_wait3A_24 = tpu.memref_slice %arg7[%dma_wait3A_22, %dma_wait3A_23] : memref<5x2000xi32, #tpu.memory_space<vmem>> -> memref<1x2000xi32, #tpu.memory_space<vmem>>
    %dma_wait3A_25 = tpu.memref_squeeze %dma_wait3A_24 : memref<1x2000xi32, #tpu.memory_space<vmem>> -> memref<2000xi32, #tpu.memory_space<vmem>>
    %dma_wait3A_26 = arith.constant 0 : i32
    %dma_wait3A_27 = arith.constant 0 : i32
    %dma_wait3A_28 = tpu.memref_slice %arg2[%dma_wait3A_26, %dma_wait3A_27] : memref<10240x16xf32, #tpu.memory_space<hbm>> -> memref<10240x16xf32, #tpu.memory_space<hbm>>
    tpu.wait_indirect_dma semaphore(%arg13 : memref<!tpu.dma_semaphore, #tpu.memory_space<semaphore_mem>>) src(%dma_wait3A_28 : memref<10240x16xf32, #tpu.memory_space<hbm>>) dst(%arg9 : memref<2000x16xf32, #tpu.memory_space<vmem>>)
    %dma_start3A_29 = arith.constant 0 : i32
    %dma_start3A_30 = arith.constant 0 : i32
    %dma_start3A_31 = tpu.memref_slice %arg8[%dma_start3A_29, %dma_start3A_30] : memref<5x2000xi32, #tpu.memory_space<vmem>> -> memref<1x2000xi32, #tpu.memory_space<vmem>>
    %dma_start3A_32 = tpu.memref_squeeze %dma_start3A_31 : memref<1x2000xi32, #tpu.memory_space<vmem>> -> memref<2000xi32, #tpu.memory_space<vmem>>
    %dma_start3A_33 = arith.constant 0 : i32
    %dma_start3A_34 = arith.constant 0 : i32
    %dma_start3A_35 = tpu.memref_slice %arg11[%dma_start3A_33, %dma_start3A_34] : memref<10240x16xf32, #tpu.memory_space<vmem_shared>> -> memref<10240x16xf32, #tpu.memory_space<vmem_shared>>
    tpu.enqueue_indirect_dma source(%arg9 : memref<2000x16xf32, #tpu.memory_space<vmem>>) target(%dma_start3A_35 : memref<10240x16xf32, #tpu.memory_space<vmem_shared>>) offsets(%dma_start3A_32 : memref<2000xi32, #tpu.memory_space<vmem>>) semaphore(%arg15 : memref<!tpu.dma_semaphore, #tpu.memory_space<semaphore_mem>>) {add = true}
    %dma_start3A_36 = arith.constant 1 : i32
    %dma_start3A_37 = arith.constant 0 : i32
    %dma_start3A_38 = tpu.memref_slice %arg7[%dma_start3A_36, %dma_start3A_37] : memref<5x2000xi32, #tpu.memory_space<vmem>> -> memref<1x2000xi32, #tpu.memory_space<vmem>>
    %dma_start3A_39 = tpu.memref_squeeze %dma_start3A_38 : memref<1x2000xi32, #tpu.memory_space<vmem>> -> memref<2000xi32, #tpu.memory_space<vmem>>
    %dma_start3A_40 = arith.constant 0 : i32
    %dma_start3A_41 = arith.constant 0 : i32
    %dma_start3A_42 = tpu.memref_slice %arg2[%dma_start3A_40, %dma_start3A_41] : memref<10240x16xf32, #tpu.memory_space<hbm>> -> memref<10240x16xf32, #tpu.memory_space<hbm>>
    tpu.enqueue_indirect_dma source(%dma_start3A_42 : memref<10240x16xf32, #tpu.memory_space<hbm>>) target(%arg10 : memref<2000x16xf32, #tpu.memory_space<vmem>>) offsets(%dma_start3A_39 : memref<2000xi32, #tpu.memory_space<vmem>>) semaphore(%arg14 : memref<!tpu.dma_semaphore, #tpu.memory_space<semaphore_mem>>)
    %dma_wait3A_43 = arith.constant 1 : i32
    %dma_wait3A_44 = arith.constant 0 : i32
    %dma_wait3A_45 = tpu.memref_slice %arg7[%dma_wait3A_43, %dma_wait3A_44] : memref<5x2000xi32, #tpu.memory_space<vmem>> -> memref<1x2000xi32, #tpu.memory_space<vmem>>
    %dma_wait3A_46 = tpu.memref_squeeze %dma_wait3A_45 : memref<1x2000xi32, #tpu.memory_space<vmem>> -> memref<2000xi32, #tpu.memory_space<vmem>>
    %dma_wait3A_47 = arith.constant 0 : i32
    %dma_wait3A_48 = arith.constant 0 : i32
    %dma_wait3A_49 = tpu.memref_slice %arg2[%dma_wait3A_47, %dma_wait3A_48] : memref<10240x16xf32, #tpu.memory_space<hbm>> -> memref<10240x16xf32, #tpu.memory_space<hbm>>
    tpu.wait_indirect_dma semaphore(%arg14 : memref<!tpu.dma_semaphore, #tpu.memory_space<semaphore_mem>>) src(%dma_wait3A_49 : memref<10240x16xf32, #tpu.memory_space<hbm>>) dst(%arg10 : memref<2000x16xf32, #tpu.memory_space<vmem>>)
    %dma_wait3A_50 = arith.constant 0 : i32
    %dma_wait3A_51 = arith.constant 0 : i32
    %dma_wait3A_52 = tpu.memref_slice %arg8[%dma_wait3A_50, %dma_wait3A_51] : memref<5x2000xi32, #tpu.memory_space<vmem>> -> memref<1x2000xi32, #tpu.memory_space<vmem>>
    %dma_wait3A_53 = tpu.memref_squeeze %dma_wait3A_52 : memref<1x2000xi32, #tpu.memory_space<vmem>> -> memref<2000xi32, #tpu.memory_space<vmem>>
    %dma_wait3A_54 = arith.constant 0 : i32
    %dma_wait3A_55 = arith.constant 0 : i32
    %dma_wait3A_56 = tpu.memref_slice %arg11[%dma_wait3A_54, %dma_wait3A_55] : memref<10240x16xf32, #tpu.memory_space<vmem_shared>> -> memref<10240x16xf32, #tpu.memory_space<vmem_shared>>
    tpu.wait_indirect_dma semaphore(%arg15 : memref<!tpu.dma_semaphore, #tpu.memory_space<semaphore_mem>>) src(%arg9 : memref<2000x16xf32, #tpu.memory_space<vmem>>) dst(%dma_wait3A_56 : memref<10240x16xf32, #tpu.memory_space<vmem_shared>>)
    %dma_start3A_57 = arith.constant 1 : i32
    %dma_start3A_58 = arith.constant 0 : i32
    %dma_start3A_59 = tpu.memref_slice %arg8[%dma_start3A_57, %dma_start3A_58] : memref<5x2000xi32, #tpu.memory_space<vmem>> -> memref<1x2000xi32, #tpu.memory_space<vmem>>
    %dma_start3A_60 = tpu.memref_squeeze %dma_start3A_59 : memref<1x2000xi32, #tpu.memory_space<vmem>> -> memref<2000xi32, #tpu.memory_space<vmem>>
    %dma_start3A_61 = arith.constant 0 : i32
    %dma_start3A_62 = arith.constant 0 : i32
    %dma_start3A_63 = tpu.memref_slice %arg11[%dma_start3A_61, %dma_start3A_62] : memref<10240x16xf32, #tpu.memory_space<vmem_shared>> -> memref<10240x16xf32, #tpu.memory_space<vmem_shared>>
    tpu.enqueue_indirect_dma source(%arg10 : memref<2000x16xf32, #tpu.memory_space<vmem>>) target(%dma_start3A_63 : memref<10240x16xf32, #tpu.memory_space<vmem_shared>>) offsets(%dma_start3A_60 : memref<2000xi32, #tpu.memory_space<vmem>>) semaphore(%arg16 : memref<!tpu.dma_semaphore, #tpu.memory_space<semaphore_mem>>) {add = true}
    %dma_start3A_64 = arith.constant 2 : i32
    %dma_start3A_65 = arith.constant 0 : i32
    %dma_start3A_66 = tpu.memref_slice %arg7[%dma_start3A_64, %dma_start3A_65] : memref<5x2000xi32, #tpu.memory_space<vmem>> -> memref<1x2000xi32, #tpu.memory_space<vmem>>
    %dma_start3A_67 = tpu.memref_squeeze %dma_start3A_66 : memref<1x2000xi32, #tpu.memory_space<vmem>> -> memref<2000xi32, #tpu.memory_space<vmem>>
    %dma_start3A_68 = arith.constant 0 : i32
    %dma_start3A_69 = arith.constant 0 : i32
    %dma_start3A_70 = tpu.memref_slice %arg2[%dma_start3A_68, %dma_start3A_69] : memref<10240x16xf32, #tpu.memory_space<hbm>> -> memref<10240x16xf32, #tpu.memory_space<hbm>>
    tpu.enqueue_indirect_dma source(%dma_start3A_70 : memref<10240x16xf32, #tpu.memory_space<hbm>>) target(%arg9 : memref<2000x16xf32, #tpu.memory_space<vmem>>) offsets(%dma_start3A_67 : memref<2000xi32, #tpu.memory_space<vmem>>) semaphore(%arg13 : memref<!tpu.dma_semaphore, #tpu.memory_space<semaphore_mem>>)
    %dma_wait3A_71 = arith.constant 2 : i32
    %dma_wait3A_72 = arith.constant 0 : i32
    %dma_wait3A_73 = tpu.memref_slice %arg7[%dma_wait3A_71, %dma_wait3A_72] : memref<5x2000xi32, #tpu.memory_space<vmem>> -> memref<1x2000xi32, #tpu.memory_space<vmem>>
    %dma_wait3A_74 = tpu.memref_squeeze %dma_wait3A_73 : memref<1x2000xi32, #tpu.memory_space<vmem>> -> memref<2000xi32, #tpu.memory_space<vmem>>
    %dma_wait3A_75 = arith.constant 0 : i32
    %dma_wait3A_76 = arith.constant 0 : i32
    %dma_wait3A_77 = tpu.memref_slice %arg2[%dma_wait3A_75, %dma_wait3A_76] : memref<10240x16xf32, #tpu.memory_space<hbm>> -> memref<10240x16xf32, #tpu.memory_space<hbm>>
    tpu.wait_indirect_dma semaphore(%arg13 : memref<!tpu.dma_semaphore, #tpu.memory_space<semaphore_mem>>) src(%dma_wait3A_77 : memref<10240x16xf32, #tpu.memory_space<hbm>>) dst(%arg9 : memref<2000x16xf32, #tpu.memory_space<vmem>>)
    %dma_wait3A_78 = arith.constant 1 : i32
    %dma_wait3A_79 = arith.constant 0 : i32
    %dma_wait3A_80 = tpu.memref_slice %arg8[%dma_wait3A_78, %dma_wait3A_79] : memref<5x2000xi32, #tpu.memory_space<vmem>> -> memref<1x2000xi32, #tpu.memory_space<vmem>>
    %dma_wait3A_81 = tpu.memref_squeeze %dma_wait3A_80 : memref<1x2000xi32, #tpu.memory_space<vmem>> -> memref<2000xi32, #tpu.memory_space<vmem>>
    %dma_wait3A_82 = arith.constant 0 : i32
    %dma_wait3A_83 = arith.constant 0 : i32
    %dma_wait3A_84 = tpu.memref_slice %arg11[%dma_wait3A_82, %dma_wait3A_83] : memref<10240x16xf32, #tpu.memory_space<vmem_shared>> -> memref<10240x16xf32, #tpu.memory_space<vmem_shared>>
    tpu.wait_indirect_dma semaphore(%arg16 : memref<!tpu.dma_semaphore, #tpu.memory_space<semaphore_mem>>) src(%arg10 : memref<2000x16xf32, #tpu.memory_space<vmem>>) dst(%dma_wait3A_84 : memref<10240x16xf32, #tpu.memory_space<vmem_shared>>)
    %dma_start3A_85 = arith.constant 2 : i32
    %dma_start3A_86 = arith.constant 0 : i32
    %dma_start3A_87 = tpu.memref_slice %arg8[%dma_start3A_85, %dma_start3A_86] : memref<5x2000xi32, #tpu.memory_space<vmem>> -> memref<1x2000xi32, #tpu.memory_space<vmem>>
    %dma_start3A_88 = tpu.memref_squeeze %dma_start3A_87 : memref<1x2000xi32, #tpu.memory_space<vmem>> -> memref<2000xi32, #tpu.memory_space<vmem>>
    %dma_start3A_89 = arith.constant 0 : i32
    %dma_start3A_90 = arith.constant 0 : i32
    %dma_start3A_91 = tpu.memref_slice %arg11[%dma_start3A_89, %dma_start3A_90] : memref<10240x16xf32, #tpu.memory_space<vmem_shared>> -> memref<10240x16xf32, #tpu.memory_space<vmem_shared>>
    tpu.enqueue_indirect_dma source(%arg9 : memref<2000x16xf32, #tpu.memory_space<vmem>>) target(%dma_start3A_91 : memref<10240x16xf32, #tpu.memory_space<vmem_shared>>) offsets(%dma_start3A_88 : memref<2000xi32, #tpu.memory_space<vmem>>) semaphore(%arg15 : memref<!tpu.dma_semaphore, #tpu.memory_space<semaphore_mem>>) {add = true}
    %dma_start3A_92 = arith.constant 3 : i32
    %dma_start3A_93 = arith.constant 0 : i32
    %dma_start3A_94 = tpu.memref_slice %arg7[%dma_start3A_92, %dma_start3A_93] : memref<5x2000xi32, #tpu.memory_space<vmem>> -> memref<1x2000xi32, #tpu.memory_space<vmem>>
    %dma_start3A_95 = tpu.memref_squeeze %dma_start3A_94 : memref<1x2000xi32, #tpu.memory_space<vmem>> -> memref<2000xi32, #tpu.memory_space<vmem>>
    %dma_start3A_96 = arith.constant 0 : i32
    %dma_start3A_97 = arith.constant 0 : i32
    %dma_start3A_98 = tpu.memref_slice %arg2[%dma_start3A_96, %dma_start3A_97] : memref<10240x16xf32, #tpu.memory_space<hbm>> -> memref<10240x16xf32, #tpu.memory_space<hbm>>
    tpu.enqueue_indirect_dma source(%dma_start3A_98 : memref<10240x16xf32, #tpu.memory_space<hbm>>) target(%arg10 : memref<2000x16xf32, #tpu.memory_space<vmem>>) offsets(%dma_start3A_95 : memref<2000xi32, #tpu.memory_space<vmem>>) semaphore(%arg14 : memref<!tpu.dma_semaphore, #tpu.memory_space<semaphore_mem>>)
    %dma_wait3A_99 = arith.constant 3 : i32
    %dma_wait3A_100 = arith.constant 0 : i32
    %dma_wait3A_101 = tpu.memref_slice %arg7[%dma_wait3A_99, %dma_wait3A_100] : memref<5x2000xi32, #tpu.memory_space<vmem>> -> memref<1x2000xi32, #tpu.memory_space<vmem>>
    %dma_wait3A_102 = tpu.memref_squeeze %dma_wait3A_101 : memref<1x2000xi32, #tpu.memory_space<vmem>> -> memref<2000xi32, #tpu.memory_space<vmem>>
    %dma_wait3A_103 = arith.constant 0 : i32
    %dma_wait3A_104 = arith.constant 0 : i32
    %dma_wait3A_105 = tpu.memref_slice %arg2[%dma_wait3A_103, %dma_wait3A_104] : memref<10240x16xf32, #tpu.memory_space<hbm>> -> memref<10240x16xf32, #tpu.memory_space<hbm>>
    tpu.wait_indirect_dma semaphore(%arg14 : memref<!tpu.dma_semaphore, #tpu.memory_space<semaphore_mem>>) src(%dma_wait3A_105 : memref<10240x16xf32, #tpu.memory_space<hbm>>) dst(%arg10 : memref<2000x16xf32, #tpu.memory_space<vmem>>)
    %dma_wait3A_106 = arith.constant 2 : i32
    %dma_wait3A_107 = arith.constant 0 : i32
    %dma_wait3A_108 = tpu.memref_slice %arg8[%dma_wait3A_106, %dma_wait3A_107] : memref<5x2000xi32, #tpu.memory_space<vmem>> -> memref<1x2000xi32, #tpu.memory_space<vmem>>
    %dma_wait3A_109 = tpu.memref_squeeze %dma_wait3A_108 : memref<1x2000xi32, #tpu.memory_space<vmem>> -> memref<2000xi32, #tpu.memory_space<vmem>>
    %dma_wait3A_110 = arith.constant 0 : i32
    %dma_wait3A_111 = arith.constant 0 : i32
    %dma_wait3A_112 = tpu.memref_slice %arg11[%dma_wait3A_110, %dma_wait3A_111] : memref<10240x16xf32, #tpu.memory_space<vmem_shared>> -> memref<10240x16xf32, #tpu.memory_space<vmem_shared>>
    tpu.wait_indirect_dma semaphore(%arg15 : memref<!tpu.dma_semaphore, #tpu.memory_space<semaphore_mem>>) src(%arg9 : memref<2000x16xf32, #tpu.memory_space<vmem>>) dst(%dma_wait3A_112 : memref<10240x16xf32, #tpu.memory_space<vmem_shared>>)
    %dma_start3A_113 = arith.constant 3 : i32
    %dma_start3A_114 = arith.constant 0 : i32
    %dma_start3A_115 = tpu.memref_slice %arg8[%dma_start3A_113, %dma_start3A_114] : memref<5x2000xi32, #tpu.memory_space<vmem>> -> memref<1x2000xi32, #tpu.memory_space<vmem>>
    %dma_start3A_116 = tpu.memref_squeeze %dma_start3A_115 : memref<1x2000xi32, #tpu.memory_space<vmem>> -> memref<2000xi32, #tpu.memory_space<vmem>>
    %dma_start3A_117 = arith.constant 0 : i32
    %dma_start3A_118 = arith.constant 0 : i32
    %dma_start3A_119 = tpu.memref_slice %arg11[%dma_start3A_117, %dma_start3A_118] : memref<10240x16xf32, #tpu.memory_space<vmem_shared>> -> memref<10240x16xf32, #tpu.memory_space<vmem_shared>>
    tpu.enqueue_indirect_dma source(%arg10 : memref<2000x16xf32, #tpu.memory_space<vmem>>) target(%dma_start3A_119 : memref<10240x16xf32, #tpu.memory_space<vmem_shared>>) offsets(%dma_start3A_116 : memref<2000xi32, #tpu.memory_space<vmem>>) semaphore(%arg16 : memref<!tpu.dma_semaphore, #tpu.memory_space<semaphore_mem>>) {add = true}
    %dma_start3A_120 = arith.constant 4 : i32
    %dma_start3A_121 = arith.constant 0 : i32
    %dma_start3A_122 = tpu.memref_slice %arg7[%dma_start3A_120, %dma_start3A_121] : memref<5x2000xi32, #tpu.memory_space<vmem>> -> memref<1x2000xi32, #tpu.memory_space<vmem>>
    %dma_start3A_123 = tpu.memref_squeeze %dma_start3A_122 : memref<1x2000xi32, #tpu.memory_space<vmem>> -> memref<2000xi32, #tpu.memory_space<vmem>>
    %dma_start3A_124 = arith.constant 0 : i32
    %dma_start3A_125 = arith.constant 0 : i32
    %dma_start3A_126 = tpu.memref_slice %arg2[%dma_start3A_124, %dma_start3A_125] : memref<10240x16xf32, #tpu.memory_space<hbm>> -> memref<10240x16xf32, #tpu.memory_space<hbm>>
    tpu.enqueue_indirect_dma source(%dma_start3A_126 : memref<10240x16xf32, #tpu.memory_space<hbm>>) target(%arg9 : memref<2000x16xf32, #tpu.memory_space<vmem>>) offsets(%dma_start3A_123 : memref<2000xi32, #tpu.memory_space<vmem>>) semaphore(%arg13 : memref<!tpu.dma_semaphore, #tpu.memory_space<semaphore_mem>>)
    %dma_wait3A_127 = arith.constant 4 : i32
    %dma_wait3A_128 = arith.constant 0 : i32
    %dma_wait3A_129 = tpu.memref_slice %arg7[%dma_wait3A_127, %dma_wait3A_128] : memref<5x2000xi32, #tpu.memory_space<vmem>> -> memref<1x2000xi32, #tpu.memory_space<vmem>>
    %dma_wait3A_130 = tpu.memref_squeeze %dma_wait3A_129 : memref<1x2000xi32, #tpu.memory_space<vmem>> -> memref<2000xi32, #tpu.memory_space<vmem>>
    %dma_wait3A_131 = arith.constant 0 : i32
    %dma_wait3A_132 = arith.constant 0 : i32
    %dma_wait3A_133 = tpu.memref_slice %arg2[%dma_wait3A_131, %dma_wait3A_132] : memref<10240x16xf32, #tpu.memory_space<hbm>> -> memref<10240x16xf32, #tpu.memory_space<hbm>>
    tpu.wait_indirect_dma semaphore(%arg13 : memref<!tpu.dma_semaphore, #tpu.memory_space<semaphore_mem>>) src(%dma_wait3A_133 : memref<10240x16xf32, #tpu.memory_space<hbm>>) dst(%arg9 : memref<2000x16xf32, #tpu.memory_space<vmem>>)
    %dma_wait3A_134 = arith.constant 3 : i32
    %dma_wait3A_135 = arith.constant 0 : i32
    %dma_wait3A_136 = tpu.memref_slice %arg8[%dma_wait3A_134, %dma_wait3A_135] : memref<5x2000xi32, #tpu.memory_space<vmem>> -> memref<1x2000xi32, #tpu.memory_space<vmem>>
    %dma_wait3A_137 = tpu.memref_squeeze %dma_wait3A_136 : memref<1x2000xi32, #tpu.memory_space<vmem>> -> memref<2000xi32, #tpu.memory_space<vmem>>
    %dma_wait3A_138 = arith.constant 0 : i32
    %dma_wait3A_139 = arith.constant 0 : i32
    %dma_wait3A_140 = tpu.memref_slice %arg11[%dma_wait3A_138, %dma_wait3A_139] : memref<10240x16xf32, #tpu.memory_space<vmem_shared>> -> memref<10240x16xf32, #tpu.memory_space<vmem_shared>>
    tpu.wait_indirect_dma semaphore(%arg16 : memref<!tpu.dma_semaphore, #tpu.memory_space<semaphore_mem>>) src(%arg10 : memref<2000x16xf32, #tpu.memory_space<vmem>>) dst(%dma_wait3A_140 : memref<10240x16xf32, #tpu.memory_space<vmem_shared>>)
    %dma_start3A_141 = arith.constant 4 : i32
    %dma_start3A_142 = arith.constant 0 : i32
    %dma_start3A_143 = tpu.memref_slice %arg8[%dma_start3A_141, %dma_start3A_142] : memref<5x2000xi32, #tpu.memory_space<vmem>> -> memref<1x2000xi32, #tpu.memory_space<vmem>>
    %dma_start3A_144 = tpu.memref_squeeze %dma_start3A_143 : memref<1x2000xi32, #tpu.memory_space<vmem>> -> memref<2000xi32, #tpu.memory_space<vmem>>
    %dma_start3A_145 = arith.constant 0 : i32
    %dma_start3A_146 = arith.constant 0 : i32
    %dma_start3A_147 = tpu.memref_slice %arg11[%dma_start3A_145, %dma_start3A_146] : memref<10240x16xf32, #tpu.memory_space<vmem_shared>> -> memref<10240x16xf32, #tpu.memory_space<vmem_shared>>
    tpu.enqueue_indirect_dma source(%arg9 : memref<2000x16xf32, #tpu.memory_space<vmem>>) target(%dma_start3A_147 : memref<10240x16xf32, #tpu.memory_space<vmem_shared>>) offsets(%dma_start3A_144 : memref<2000xi32, #tpu.memory_space<vmem>>) semaphore(%arg15 : memref<!tpu.dma_semaphore, #tpu.memory_space<semaphore_mem>>) {add = true}
    %dma_wait3A_148 = arith.constant 4 : i32
    %dma_wait3A_149 = arith.constant 0 : i32
    %dma_wait3A_150 = tpu.memref_slice %arg8[%dma_wait3A_148, %dma_wait3A_149] : memref<5x2000xi32, #tpu.memory_space<vmem>> -> memref<1x2000xi32, #tpu.memory_space<vmem>>
    %dma_wait3A_151 = tpu.memref_squeeze %dma_wait3A_150 : memref<1x2000xi32, #tpu.memory_space<vmem>> -> memref<2000xi32, #tpu.memory_space<vmem>>
    %dma_wait3A_152 = arith.constant 0 : i32
    %dma_wait3A_153 = arith.constant 0 : i32
    %dma_wait3A_154 = tpu.memref_slice %arg11[%dma_wait3A_152, %dma_wait3A_153] : memref<10240x16xf32, #tpu.memory_space<vmem_shared>> -> memref<10240x16xf32, #tpu.memory_space<vmem_shared>>
    tpu.wait_indirect_dma semaphore(%arg15 : memref<!tpu.dma_semaphore, #tpu.memory_space<semaphore_mem>>) src(%arg9 : memref<2000x16xf32, #tpu.memory_space<vmem>>) dst(%dma_wait3A_154 : memref<10240x16xf32, #tpu.memory_space<vmem_shared>>)
    %barrier3A_155 = arith.constant 0 : index
    tpu.barrier barrier_id(%barrier3A_155)
    %mul3A_156 = arith.constant 640 : i32
    %mul3A_157 = arith.muli %arg1, %mul3A_156 : i32
    %mul3A_158 = arith.constant 640 : i32
    %mul3A_159 = arith.muli %arg1, %mul3A_158 : i32
    "tpu.region"() ({
      %run_scoped3A = tpu.sem_alloc : memref<!tpu.dma_semaphore, #tpu.memory_space<semaphore_mem>>
      %dma_start3A_160 = arith.constant 0 : i32
      %dma_start3A_161 = tpu.memref_slice %arg6[%arg0, %mul3A_159, %dma_start3A_160] : memref<2x10240x16xf32, #tpu.memory_space<hbm>> -> memref<1x640x16xf32, #tpu.memory_space<hbm>>
      %dma_start3A_162 = tpu.memref_squeeze %dma_start3A_161 : memref<1x640x16xf32, #tpu.memory_space<hbm>> -> memref<640x16xf32, #tpu.memory_space<hbm>>
      %dma_start3A_163 = arith.constant 0 : i32
      %dma_start3A_164 = tpu.memref_slice %arg11[%mul3A_157, %dma_start3A_163] : memref<10240x16xf32, #tpu.memory_space<vmem_shared>> -> memref<640x16xf32, #tpu.memory_space<vmem_shared>>
      tpu.enqueue_dma source(%dma_start3A_164 : memref<640x16xf32, #tpu.memory_space<vmem_shared>>) target(%dma_start3A_162 : memref<640x16xf32, #tpu.memory_space<hbm>>) target_semaphore(%run_scoped3A : memref<!tpu.dma_semaphore, #tpu.memory_space<semaphore_mem>>)
      %dma_wait3A_165 = arith.constant 0 : i32
      %dma_wait3A_166 = tpu.memref_slice %arg6[%arg0, %mul3A_159, %dma_wait3A_165] : memref<2x10240x16xf32, #tpu.memory_space<hbm>> -> memref<1x640x16xf32, #tpu.memory_space<hbm>>
      %dma_wait3A_167 = tpu.memref_squeeze %dma_wait3A_166 : memref<1x640x16xf32, #tpu.memory_space<hbm>> -> memref<640x16xf32, #tpu.memory_space<hbm>>
      %dma_wait3A_168 = arith.constant 0 : i32
      %dma_wait3A_169 = tpu.memref_slice %arg11[%mul3A_157, %dma_wait3A_168] : memref<10240x16xf32, #tpu.memory_space<vmem_shared>> -> memref<640x16xf32, #tpu.memory_space<vmem_shared>>
      tpu.wait_dma2 semaphore(%run_scoped3A : memref<!tpu.dma_semaphore, #tpu.memory_space<semaphore_mem>>) src(%dma_wait3A_169 : memref<640x16xf32, #tpu.memory_space<vmem_shared>>) dst(%dma_wait3A_167 : memref<640x16xf32, #tpu.memory_space<hbm>>)
      tpu.yield
    }) : () -> ()
    return
  }
}

module attributes {stable_mosaic.version = 14 : i64} {
  func.func @_tc1_body(%arg0: memref<2x10240xf32, #tpu.memory_space<vmem>>, %arg1: memref<10000x128xf32, #tpu.memory_space<vmem>>, %arg2: memref<128x16xf32, #tpu.memory_space<vmem>>, %arg3: memref<10240x16xf32, #tpu.memory_space<vmem>>, %arg4: memref<10240x1xf32, #tpu.memory_space<vmem>>) attributes {dimension_semantics = [], scalar_prefetch = 0 : i64, scratch_operands = 0 : i64, tpu.core_type = #tpu.core_type<tc>} {
    %get3A = arith.constant 0 : index
    %get3A_0 = arith.constant 0 : index
    %get3A_1 = vector.load %arg0[%get3A, %get3A_0] : memref<2x10240xf32, #tpu.memory_space<vmem>>, vector<1x10240xf32>
    %get3A_2 = vector.shape_cast %get3A_1 : vector<1x10240xf32> to vector<10240xf32>
    %get3A_3 = arith.constant 1 : index
    %get3A_4 = arith.constant 0 : index
    %get3A_5 = vector.load %arg0[%get3A_3, %get3A_4] : memref<2x10240xf32, #tpu.memory_space<vmem>>, vector<1x10240xf32>
    %get3A_6 = vector.shape_cast %get3A_5 : vector<1x10240xf32> to vector<10240xf32>
    %add3A = arith.addf %get3A_2, %get3A_6 : vector<10240xf32>
    %add3A_7 = arith.constant 1.000000e+00 : f32
    %add3A_8 = vector.broadcast %add3A_7 : f32 to vector<10240xf32>
    %add3A_9 = arith.addf %add3A, %add3A_8 : vector<10240xf32>
    %rsqrt3A = math.rsqrt %add3A_9 : vector<10240xf32>
    %get3A_10 = arith.constant 0 : index
    %get3A_11 = arith.constant 0 : index
    %get3A_12 = vector.load %arg1[%get3A_10, %get3A_11] : memref<10000x128xf32, #tpu.memory_space<vmem>>, vector<10000x128xf32>
    %get3A_13 = arith.constant 0 : index
    %get3A_14 = arith.constant 0 : index
    %get3A_15 = vector.load %arg2[%get3A_13, %get3A_14] : memref<128x16xf32, #tpu.memory_space<vmem>>, vector<128x16xf32>
    %dot_general3A = arith.constant dense<0.000000e+00> : vector<10000x16xf32>
    %dot_general3A_16 = tpu.matmul %get3A_12, %get3A_15, %dot_general3A {dimension_numbers = #tpu.dot_dimension_numbers<[1], [0], [0], [1], [0, 0, 1, 1], [], []>, transpose_lhs_hint = false} : vector<10000x128xf32>, vector<128x16xf32>, vector<10000x16xf32> -> vector<10000x16xf32>
    %slice3A = vector.extract_strided_slice %rsqrt3A {offsets = [0], sizes = [10000], strides = [1]} : vector<10240xf32> to vector<10000xf32>
    %broadcast_in_dim3A = vector.shape_cast %slice3A : vector<10000xf32> to vector<10000x1xf32>
    %mul3A = vector.broadcast %broadcast_in_dim3A : vector<10000x1xf32> to vector<10000x16xf32>
    %mul3A_17 = arith.mulf %dot_general3A_16, %mul3A : vector<10000x16xf32>
    %swap3A = arith.constant 0 : index
    %swap3A_18 = arith.constant 0 : index
    %swap3A_19 = vector.load %arg3[%swap3A, %swap3A_18] : memref<10240x16xf32, #tpu.memory_space<vmem>>, vector<10000x16xf32>
    tpu.vector_store %arg3[%swap3A, %swap3A_18], %mul3A_17 {strides = array<i32>} : memref<10240x16xf32, #tpu.memory_space<vmem>>, vector<10000x16xf32>,
    %broadcast_in_dim3A_20 = arith.constant 0.000000e+00 : f32
    %broadcast_in_dim3A_21 = vector.broadcast %broadcast_in_dim3A_20 : f32 to vector<240x16xf32>
    %swap3A_22 = arith.constant 10000 : index
    %swap3A_23 = arith.constant 0 : index
    %swap3A_24 = vector.load %arg3[%swap3A_22, %swap3A_23] : memref<10240x16xf32, #tpu.memory_space<vmem>>, vector<240x16xf32>
    tpu.vector_store %arg3[%swap3A_22, %swap3A_23], %broadcast_in_dim3A_21 {strides = array<i32>} : memref<10240x16xf32, #tpu.memory_space<vmem>>, vector<240x16xf32>,
    %broadcast_in_dim3A_25 = vector.shape_cast %rsqrt3A : vector<10240xf32> to vector<10240x1xf32>
    %swap3A_26 = arith.constant 0 : index
    %swap3A_27 = arith.constant 0 : index
    %swap3A_28 = vector.load %arg4[%swap3A_26, %swap3A_27] : memref<10240x1xf32, #tpu.memory_space<vmem>>, vector<10240x1xf32>
    tpu.vector_store %arg4[%swap3A_26, %swap3A_27], %broadcast_in_dim3A_25 {strides = array<i32>} : memref<10240x1xf32, #tpu.memory_space<vmem>>, vector<10240x1xf32>,
    return
  }
}

module attributes {stable_mosaic.version = 14 : i64} {
  func.func @_tc2_body(%arg0: memref<2x10240x16xf32, #tpu.memory_space<vmem>>, %arg1: memref<10240x16xf32, #tpu.memory_space<vmem>>, %arg2: memref<10240x1xf32, #tpu.memory_space<vmem>>, %arg3: memref<16xf32, #tpu.memory_space<vmem>>, %arg4: memref<16x1xf32, #tpu.memory_space<vmem>>, %arg5: memref<10240x1xf32, #tpu.memory_space<vmem>>) attributes {dimension_semantics = [], scalar_prefetch = 0 : i64, scratch_operands = 0 : i64, tpu.core_type = #tpu.core_type<tc>} {
    %get3A = arith.constant 0 : index
    %get3A_0 = arith.constant 0 : index
    %get3A_1 = arith.constant 0 : index
    %get3A_2 = vector.load %arg0[%get3A, %get3A_0, %get3A_1] : memref<2x10240x16xf32, #tpu.memory_space<vmem>>, vector<1x10240x16xf32>
    %get3A_3 = vector.shape_cast %get3A_2 : vector<1x10240x16xf32> to vector<10240x16xf32>
    %get3A_4 = arith.constant 1 : index
    %get3A_5 = arith.constant 0 : index
    %get3A_6 = arith.constant 0 : index
    %get3A_7 = vector.load %arg0[%get3A_4, %get3A_5, %get3A_6] : memref<2x10240x16xf32, #tpu.memory_space<vmem>>, vector<1x10240x16xf32>
    %get3A_8 = vector.shape_cast %get3A_7 : vector<1x10240x16xf32> to vector<10240x16xf32>
    %add3A = arith.addf %get3A_3, %get3A_8 : vector<10240x16xf32>
    %get3A_9 = arith.constant 0 : index
    %get3A_10 = arith.constant 0 : index
    %get3A_11 = vector.load %arg1[%get3A_9, %get3A_10] : memref<10240x16xf32, #tpu.memory_space<vmem>>, vector<10240x16xf32>
    %add3A_12 = arith.addf %add3A, %get3A_11 : vector<10240x16xf32>
    %get3A_13 = arith.constant 0 : index
    %get3A_14 = arith.constant 0 : index
    %get3A_15 = vector.load %arg2[%get3A_13, %get3A_14] : memref<10240x1xf32, #tpu.memory_space<vmem>>, vector<10240x1xf32>
    %mul3A = vector.broadcast %get3A_15 : vector<10240x1xf32> to vector<10240x16xf32>
    %mul3A_16 = arith.mulf %mul3A, %add3A_12 : vector<10240x16xf32>
    %get3A_17 = arith.constant 0 : index
    %get3A_18 = vector.load %arg3[%get3A_17] : memref<16xf32, #tpu.memory_space<vmem>>, vector<16xf32>
    %broadcast_in_dim3A = vector.shape_cast %get3A_18 : vector<16xf32> to vector<1x16xf32>
    %add3A_19 = vector.broadcast %broadcast_in_dim3A : vector<1x16xf32> to vector<10240x16xf32>
    %add3A_20 = arith.addf %mul3A_16, %add3A_19 : vector<10240x16xf32>
    %max3A = arith.constant 0.000000e+00 : f32
    %max3A_21 = vector.broadcast %max3A : f32 to vector<10240x16xf32>
    %max3A_22 = arith.maximumf %add3A_20, %max3A_21 : vector<10240x16xf32>
    %get3A_23 = arith.constant 0 : index
    %get3A_24 = arith.constant 0 : index
    %get3A_25 = vector.load %arg4[%get3A_23, %get3A_24] : memref<16x1xf32, #tpu.memory_space<vmem>>, vector<16x1xf32>
    %dot_general3A = arith.constant dense<0.000000e+00> : vector<10240x1xf32>
    %dot_general3A_26 = tpu.matmul %max3A_22, %get3A_25, %dot_general3A {dimension_numbers = #tpu.dot_dimension_numbers<[1], [0], [0], [1], [0, 0, 1, 1], [], []>, transpose_lhs_hint = false} : vector<10240x16xf32>, vector<16x1xf32>, vector<10240x1xf32> -> vector<10240x1xf32>
    %get3A_27 = arith.constant 0 : index
    %get3A_28 = arith.constant 0 : index
    %get3A_29 = vector.load %arg2[%get3A_27, %get3A_28] : memref<10240x1xf32, #tpu.memory_space<vmem>>, vector<10240x1xf32>
    %mul3A_30 = arith.mulf %get3A_29, %dot_general3A_26 : vector<10240x1xf32>
    %swap3A = arith.constant 0 : index
    %swap3A_31 = arith.constant 0 : index
    %swap3A_32 = vector.load %arg5[%swap3A, %swap3A_31] : memref<10240x1xf32, #tpu.memory_space<vmem>>, vector<10240x1xf32>
    tpu.vector_store %arg5[%swap3A, %swap3A_31], %mul3A_30 {strides = array<i32>} : memref<10240x1xf32, #tpu.memory_space<vmem>>, vector<10240x1xf32>,
    return
  }
}

module attributes {stable_mosaic.version = 14 : i64} {
  func.func @_tc3_body(%arg0: memref<2x10240xf32, #tpu.memory_space<vmem>>, %arg1: memref<10240x1xf32, #tpu.memory_space<vmem>>, %arg2: memref<10240x1xf32, #tpu.memory_space<vmem>>, %arg3: memref<1xf32, #tpu.memory_space<vmem>>, %arg4: memref<10000x1xf32, #tpu.memory_space<vmem>>) attributes {dimension_semantics = [], scalar_prefetch = 0 : i64, scratch_operands = 0 : i64, tpu.core_type = #tpu.core_type<tc>} {
    %get3A = arith.constant 0 : index
    %get3A_0 = arith.constant 0 : index
    %get3A_1 = vector.load %arg0[%get3A, %get3A_0] : memref<2x10240xf32, #tpu.memory_space<vmem>>, vector<1x10240xf32>
    %get3A_2 = vector.shape_cast %get3A_1 : vector<1x10240xf32> to vector<10240xf32>
    %get3A_3 = arith.constant 1 : index
    %get3A_4 = arith.constant 0 : index
    %get3A_5 = vector.load %arg0[%get3A_3, %get3A_4] : memref<2x10240xf32, #tpu.memory_space<vmem>>, vector<1x10240xf32>
    %get3A_6 = vector.shape_cast %get3A_5 : vector<1x10240xf32> to vector<10240xf32>
    %add3A = arith.addf %get3A_2, %get3A_6 : vector<10240xf32>
    %broadcast_in_dim3A = vector.shape_cast %add3A : vector<10240xf32> to vector<10240x1xf32>
    %get3A_7 = arith.constant 0 : index
    %get3A_8 = arith.constant 0 : index
    %get3A_9 = vector.load %arg1[%get3A_7, %get3A_8] : memref<10240x1xf32, #tpu.memory_space<vmem>>, vector<10240x1xf32>
    %add3A_10 = arith.addf %broadcast_in_dim3A, %get3A_9 : vector<10240x1xf32>
    %get3A_11 = arith.constant 0 : index
    %get3A_12 = arith.constant 0 : index
    %get3A_13 = vector.load %arg2[%get3A_11, %get3A_12] : memref<10240x1xf32, #tpu.memory_space<vmem>>, vector<10240x1xf32>
    %mul3A = arith.mulf %get3A_13, %add3A_10 : vector<10240x1xf32>
    %get3A_14 = arith.constant 0 : index
    %get3A_15 = vector.load %arg3[%get3A_14] : memref<1xf32, #tpu.memory_space<vmem>>, vector<1xf32>
    %broadcast_in_dim3A_16 = vector.shape_cast %get3A_15 : vector<1xf32> to vector<1x1xf32>
    %add3A_17 = vector.broadcast %broadcast_in_dim3A_16 : vector<1x1xf32> to vector<10240x1xf32>
    %add3A_18 = arith.addf %mul3A, %add3A_17 : vector<10240x1xf32>
    %slice3A = vector.extract_strided_slice %add3A_18 {offsets = [0, 0], sizes = [10000, 1], strides = [1, 1]} : vector<10240x1xf32> to vector<10000x1xf32>
    %swap3A = arith.constant 0 : index
    %swap3A_19 = arith.constant 0 : index
    %swap3A_20 = vector.load %arg4[%swap3A, %swap3A_19] : memref<10000x1xf32, #tpu.memory_space<vmem>>, vector<10000x1xf32>
    tpu.vector_store %arg4[%swap3A, %swap3A_19], %slice3A {strides = array<i32>} : memref<10000x1xf32, #tpu.memory_space<vmem>>, vector<10000x1xf32>,
    return
  }
}

</mosaic_0001>

<sc_bundles>
// kernel: kernel.11.cloned.1.call-start
scs
__scs_entry_jumppad:
0x0: {  	(pc) =	sbr.rel $0x88, $3  }
0x1: {  	(tag) =	ssettag $0x0;
	lr =	simm.s32 $0x1  }
0x2: {  	[smem:$0x3F9B] =	sst lr;
	_ =	strace $0xD0000000  }
0x3: {  	_ = 	snop  }
0x4: {  	_ = 	snop  }
0x5: {  	_ = 	snop  }
0x6: {  	_ = 	snop  }
0x7: {  	_ = 	snop  }
__scs_overlays_trampoline_lowered:
0x8: {  	[smem:$0x3FAA] =	sst s0  }
0x9: {  	[smem:$0x3FAB] =	sst s1  }
0xa: {  	[smem:$0x3FAC] =	sst s2  }
0xb: {  	[smem:$0x3FAD] =	sst s3  }
0xc: {  	[smem:$0x3FAE] =	sst s4  }
0xd: {  	[smem:$0x3FAF] =	sst s5  }
0xe: {  	[smem:$0x3FB0] =	sst s6  }
0xf: {  	[smem:$0x3FB1] =	sst s7  }
0x10: {  	[smem:$0x3FB2] =	sst s8  }
0x11: {  	[smem:$0x3FB3] =	sst s9;
	s0 =	simm.s32 @!p0 $0x0  }
0x12: {  	s1 =	sld [smem:$0x3F99];
	s0 =	simm.s32 @p0 $0x1  }
0x13: {  	[smem:$0x3FB4] =	sst s0;
	s0 =	simm.s32 @!p1 $0x0  }
0x14: {  	s2 =	sld [smem:$0x3F98];
	s0 =	simm.s32 @p1 $0x1  }
0x15: {  	[smem:$0x3FB5] =	sst s0;
	s0 =	simm.s32 @!p2 $0x0  }
0x16: {  	s3 =	sld [smem:$0x3FDB];
	s0 =	simm.s32 @p2 $0x1  }
0x17: {  	s4 =	simm.s32 $0x1BF5;
	[smem:$0x3FB7] =	sst s0  }
0x18: {  	s0 =	sld [smem:$0x3F9A];
	_ =	swait.ge [sflag:s4], $0x0  }
0x19: {  	s7 =	sld [smem:$0x3F9B]  }
0x1a: {  	s8 =	sadd.s32 $0xFFFFE003, lr  }
0x1b: {  	s9 =	sadd.s32 $0xFFFFFEF7, lr;
	s5 =	simm.s32 $0xFFFFFFFF;
	p2 =	slt.u32 s8, $0xFFFFF086  }
0x1c: {  	p1 =	slt.u32 s9, $0xF7A;
	s5 =	simm.s32 @!p2 $0x0  }
0x1d: {  	s5 =	simm.s32 @p1 $0x1;
	p0 =	seq.s32 s7, s2  }
0x1e: {  	s7 =	smul.u32 @!p0 $0xF7A, s2;
	p2 =	seq.s32 @!p0 s5, $0x0  }
0x1f: {  	s9 =	smul.u32 $0xF7A, s1;
	s8 =	simm.s32 @!p0 $0x1BF5;
	p2 =	por !p2, p0  }
0x20: {  	[sflag:s8] =	ssyncset.s32 @!p0 $0xFFFFF086;
	s6 =	sadd.s32 @!p0 s3, s7;
	s7 =	simm.s32 @!p0 $0x108  }
0x21: {  	s3 =	sadd.s32 s3, s9;
	s6 =	sadd.s32 @!p0 $0x88, s6;
	s7 =	simm.s32 @p2 $0x1082  }
0x22: {  	[simem:s7], [sflag:s8] =	dma.local @!p0 [hbm:s6], $0xF7A  }
0x23: {  	s9 =	sor.u32 $0xD0000000, s2;
	s6 =	simm.s32 $0x108;
	_ =	swait.ge @!p0 [sflag:s8], $0x0  }
0x24: {  	s3 =	sadd.s32 $0x88, s3;
	s6 =	simm.s32 @!p1 $0x1082;
	[sflag:s4] =	ssyncset.s32 $0xFFFFF086  }
0x25: {  	[simem:s6], [sflag:s4] =	dma.local [hbm:s3], $0xF7A  }
0x26: {  	[smem:$0x3F9B] =	sst s1;
	(tag) =	ssettag s2;
	_ =	strace s9  }
0x27: {  	s1 =	sld [smem:$0x3FAB]  }
0x28: {  	s2 =	sld [smem:$0x3FAC]  }
0x29: {  	s4 =	sld [smem:$0x3FAE]  }
0x2a: {  	p0 =	seq.s32 s5, $0x0;
	s5 =	sld [smem:$0x3FAF]  }
0x2b: {  	s6 =	sld [smem:$0x3FB0]  }
0x2c: {  	s7 =	sld [smem:$0x3FB1]  }
0x2d: {  	s3 =	simm.s32 $0x108;
	s8 =	sld [smem:$0x3FB2]  }
0x2e: {  	s3 =	simm.s32 @!p0 $0x1082;
	s9 =	sld [smem:$0x3FB3]  }
0x2f: {  	lr =	sadd.s32 s0, s3;
	s0 =	sld [smem:$0x3FAA]  }
0x30: {  	s3 =	sld [smem:$0x3FAD]  }
0x31: {  	[smem:$0x3FB6] =	sst s10  }
0x32: {  	s10 =	sld [smem:$0x3FB4];
	_ =	sdelay $0x3  }
0x33: {  	p0 =	seq.s32 s10, $0x1;
	s10 =	sld [smem:$0x3FB6];
	_ =	sdelay $0x3  }
0x34: {  	[smem:$0x3FB6] =	sst s10  }
0x35: {  	s10 =	sld [smem:$0x3FB5];
	_ =	sdelay $0x3  }
0x36: {  	p1 =	seq.s32 s10, $0x1;
	s10 =	sld [smem:$0x3FB6];
	_ =	sdelay $0x3  }
0x37: {  	[smem:$0x3FB6] =	sst s10  }
0x38: {  	s10 =	sld [smem:$0x3FB7]  }
0x39: {  	_ = 	snop;
	(pc) =	sbr.ind lr, $3  }
0x3a: {  	_ = 	snop  }
0x3b: {  	_ = 	snop  }
0x3c: {  	p2 =	seq.s32 s10, $0x1;
	s10 =	sld [smem:$0x3FB6]  }
0x3d: {  	_ =	shalt  }
0x3e: {  	_ =	shalt  }
0x3f: {  	_ =	shalt  }
0x40: {  	_ =	shalt  }
0x41: {  	_ =	shalt  }
0x42: {  	_ =	shalt  }
0x43: {  	_ =	shalt  }
0x44: {  	_ =	shalt  }
0x45: {  	_ =	shalt  }
0x46: {  	_ =	shalt  }
0x47: {  	_ =	shalt  }
0x48: {  	_ =	shalt  }
0x49: {  	_ =	shalt  }
0x4a: {  	_ =	shalt  }
0x4b: {  	_ =	shalt  }
0x4c: {  	_ =	shalt  }
0x4d: {  	_ =	shalt  }
0x4e: {  	_ =	shalt  }
0x4f: {  	_ =	shalt  }
0x50: {  	_ =	shalt  }
0x51: {  	_ =	shalt  }
0x52: {  	_ =	shalt  }
0x53: {  	_ =	shalt  }
0x54: {  	_ =	shalt  }
0x55: {  	_ =	shalt  }
0x56: {  	_ =	shalt  }
0x57: {  	_ =	shalt  }
0x58: {  	_ =	shalt  }
0x59: {  	_ =	shalt  }
0x5a: {  	_ =	shalt  }
0x5b: {  	_ =	shalt  }
0x5c: {  	_ =	shalt  }
0x5d: {  	_ =	shalt  }
0x5e: {  	_ =	shalt  }
0x5f: {  	_ =	shalt  }
0x60: {  	_ =	shalt  }
0x61: {  	_ =	shalt  }
0x62: {  	_ =	shalt  }
0x63: {  	_ =	shalt  }
0x64: {  	_ =	shalt  }
0x65: {  	_ =	shalt  }
0x66: {  	_ =	shalt  }
0x67: {  	_ =	shalt  }
0x68: {  	_ =	shalt  }
0x69: {  	_ =	shalt  }
0x6a: {  	_ =	shalt  }
0x6b: {  	_ =	shalt  }
0x6c: {  	_ =	shalt  }
0x6d: {  	_ =	shalt  }
0x6e: {  	_ =	shalt  }
0x6f: {  	_ =	shalt  }
0x70: {  	_ =	shalt  }
0x71: {  	_ =	shalt  }
0x72: {  	_ =	shalt  }
0x73: {  	_ =	shalt  }
0x74: {  	_ =	shalt  }
0x75: {  	_ =	shalt  }
0x76: {  	_ =	shalt  }
0x77: {  	_ =	shalt  }
0x78: {  	_ =	shalt  }
0x79: {  	_ =	shalt  }
0x7a: {  	_ =	shalt  }
0x7b: {  	_ =	shalt  }
0x7c: {  	_ =	shalt  }
0x7d: {  	_ =	shalt  }
0x7e: {  	_ =	shalt  }
0x7f: {  	_ =	shalt  }
0x80: {  	_ =	shalt  }
0x81: {  	_ =	shalt  }
0x82: {  	_ =	shalt  }
0x83: {  	_ =	shalt  }
0x84: {  	_ =	shalt  }
0x85: {  	_ =	shalt  }
0x86: {  	_ =	shalt  }
0x87: {  	_ =	shalt  }
.Lfunc_end0:
.L_simem_size_0:
called_computation.1_lowered:
.L_overlay_start_0:
0x88: {  	s2 =	sld [smem:$0x3FD9]  }
0x89: {  	s3 =	sld [smem:$0x3FFE];
	_ =	sdelay $0x1  }
0x8a: {  	s1 =	srdreg.scid  }
0x8b: {  	s0 =	sand.u32 $0x1, s1  }
0x8c: {  	s16 =	sshll.u32 s0, $0xA;
	s2 =	sadd.s32 s3, s2  }
0x8d: {  	s2 =	sadd.s32 s2, s16  }
0x8e: {  	[smem:$0x3FC2] =	sst s2  }
0x8f: {  	_ = 	snop  }
0x90: {  	(tm) =	ssettm $0x1  }
0x91: {  	s17 =	sld [smem:$0x3FFB];
	_ =	sdelay $0x3  }
0x92: {  	_ =	strace s17  }
0x93: {  	s2 =	sld [smem:$0x3FFC];
	_ =	sdelay $0x3  }
0x94: {  	_ =	strace s2  }
0x95: {  	s2 =	sld [smem:$0x3FFD];
	_ =	sdelay $0x3  }
0x96: {  	_ =	strace s2  }
0x97: {  	_ =	strace $0x8FFFFFFF  }
0x98: {  	s18 =	sld [smem:$0x3FDB];
	_ =	sdelay $0x1  }
0x99: {  	s19 =	simm.s32 $_scs_section_size  }
0x9a: {  	s4 =	simm.s32 $_size__tile_overlayer_lowered;
	s5 =	simm.s32 $_tile_overlayer_lowered  }
0x9b: {  	s22 =	simm.s32 $0x1BFF;
	s21 =	sshll.u32 s5, $0x1;
	s2 =	sadd.s32 s19, s18  }
0x9c: {  	s6 =	simm.s32 $0x0;
	s20 =	sshll.u32 s4, $0x1;
	s4 =	sadd.s32 s21, s2  }
0x9d: {  	[timem:s6], [sflag:s22] =	dma.local [hbm:s4], s20  }
0x9e: {  	_ =	swait.ge [sflag:s22], s20  }
0x9f: {  	s3 =	ssub.s32 $0x0, s20;
	[sflag:s22] =	ssyncset.done $0x0  }
0xa0: {  	[sflag:s22] =	ssyncadd.s32 s3;
	_ =	sdelay $0x1  }
0xa1: {  	s23 =	simm.s32 $0x1B8B  }
0xa2: {  	_ =	swait.ge [sflag:s23], $0x1  }
0xa3: {  	[sflag:s23] =	ssyncset.done $0x0  }
0xa4: {  	s25 =	simm.s32 $0x1B8E;
	s24 =	sld [smem:$0x3FFE];
	[sflag:s23] =	ssyncadd.s32 $0xFFFFFFFF  }
0xa5: {  	s26 =	simm.s32 $execute0_lowered;
	[smem:$0x3FD2] =	sst s25  }
0xa6: {  	s4 =	sshll.u32 s26, $0x1;
	_ =	strace $0x80000049;
	[dreg:$0x1] =	wrdreg $0xFFFFFFFF  }
0xa7: {  	s28 =	simm.s32 $_size_execute0_lowered;
	s2 =	sadd.s32 s2, s4;
	[dreg:$0x0] =	wrdreg $0x0  }
0xa8: {  	s4 =	sshll.u32 s28, $0x1;
	[dreg:$0x2] =	wrdreg s2  }
0xa9: {  	[dreg:$0x3] =	wrdreg s4  }
0xaa: {  	[dreg:$0x4] =	wrdreg $0xC0  }
0xab: {  	_ =	task [dreg:s6], $0x5FFFF  }
0xac: {  	[dreg:$0x1] =	wrdreg $0xFFFFFFFF  }
0xad: {  	[dreg:$0x0] =	wrdreg $0x60  }
0xae: {  	[dreg:$0x2] =	wrdreg s24  }
0xaf: {  	[dreg:$0x3] =	wrdreg $0x148200  }
0xb0: {  	[dreg:$0x4] =	wrdreg $0x9  }
0xb1: {  	_ =	task.clear_ibuf [dreg:s6], $0x5FFFF;
	_ =	strace $0x90000049  }
0xb2: {  	s29 =	simm.s32 $0x9;
	_ =	strace $0x8000004B  }
0xb3: {  	_ =	swait.ge [sflag:s29], $0x1  }
0xb4: {  	[sflag:s29] =	ssyncadd.s32 $0xFFFFFFFF  }
0xb5: {  	_ =	strace $0x9000004B  }
0xb6: {  	_ =	sfence  }
0xb7: {  	s30 =	sld [smem:$0x0];
	_ =	sdelay $0x2  }
0xb8: {  	s31 =	sshll.u32 s1, $0xD;
	s1 =	sshrl.u32 s1, $0x2  }
0xb9: {  	s3 =	sand.u32 $0x4000, s31;
	s1 =	sadd.s32 s1, s30  }
0xba: {  	s0 =	sor.u32 s3, s0;
	s1 =	sshll.u32 s1, $0x11  }
0xbb: {  	s0 =	sor.u32 s1, s0  }
0xbc: {  	s0 =	sadd.s32 $0x8F2B, s0  }
0xbd: {  	[sflag:s0] =	ssyncadd.remote.s32 $0x1  }
0xbe: {  	_ =	sfence.sel $0xFFFF  }
0xbf: {  	[dreg:$0x0] =	wrdreg $0xFFFFFFFF;
	(pc) =	sbr.abs _section_cstart, $3  }
0xc0: {  	[dreg:$0x1] =	wrdreg $0xFFFFFFFF  }
0xc1: {  	_ =	task.clear_ibuf [dreg:s6], $0x2FFFF;
	_ =	strace $0x9FFFFFFF  }
0xc2: {  	(tm) =	ssettm $0x7FFFFFFF  }
0xc3: {  	_ =	shalt  }
tec
execute0_lowered:
.L_overlay_start_1:
0x0: {  	(tag) =	ssettag $0x1  }
0x1: {  	s28 =	rddreg [dreg:$0x0]  }
0x2: {  	s2 =	rddreg [dreg:$0x1];
	s3 =	srdreg.scid  }
0x3: {  	s1 =	stileid.u32;
	s0 =	rddreg [dreg:$0x2]  }
0x4: {  	s29 =	sand.u32 $0x1, s3;
	s4 =	sshll.u32 s1, $0x1;
	s26 =	smul.u32 $0x2800, s1  }
0x5: {  	s3 =	simm.s32 $0x0;
	s30 =	sshll.u32 s1, $0x6;
	s4 =	sor.u32 s29, s4  }
0x6: {  	[smem:$0x7FF] =	sst s3;
	s4 =	smul.u32 $0x4E2, s4;
	s5 =	sshrl.u32 s26, $0x3  }
0x7: {  	_ =	strace $0x8000004A;
	s7 =	sadd.s32 s26, s2;
	s31 =	sadd.s32 s5, s28  }
0x8: {  	s5 =	sor.u32 $0x1C01, s30;
	s8 =	sshrl.u32 s7, $0x3;
	s9 =	sadd.s32 s4, s28  }
0x9: {  	s7 =	simm.s32 $0x6;
	s4 =	sadd.s32 $0x1A000, s31;
	s6 =	sadd.s32 $0xE00, s9  }
0xa: {  	[spmem:s8], [sflag:s5] =	dma.local [hbm:s4], $0x500  }
0xb: {  	[tilespmem:s3], [sflag:$0x6] =	stream.linear.gather [hbm4b:s6+s3], $0x2710, $0x38;
	[tilespmem:$0x17020] =	vst v63  }
0xc: {  	_ =	swait.ge [sflag:s7], $0x2710  }
0xd: {  	[sflag:s7] =	ssyncset.done $0x0  }
0xe: {  	s10 =	simm.s32 $0x2710;
	s9 =	sadd.s32 $0xAC00, s9;
	[sflag:s7] =	ssyncadd.s32 $0xFFFFD8F0  }
0xf: {  	[tilespmem:s10], [sflag:$0x6] =	stream.linear.gather [hbm4b:s9+s3], $0x2710, $0x38;
	[tilespmem:$0x17020] =	vst v63  }
0x10: {  	_ =	swait.ge [sflag:s7], $0x2710  }
0x11: {  	[sflag:s7] =	ssyncset.done $0x0  }
0x12: {  	s11 =	simm.s32 $0x1;
	[sflag:s7] =	ssyncadd.s32 $0xFFFFD8F0  }
0x13: {  	_ =	swait.ge [sflag:s11], $0x500  }
0x14: {  	[sflag:s11] =	ssyncset.done $0x0  }
0x15: {  	s13 =	simm.s32 $0x7D0;
	s14 =	simm.s32 $0x4E20;
	[sflag:s11] =	ssyncadd.s32 $0xFFFFFB00  }
0x16: {  	s15 =	simm.s32 $0x2;
	s12 =	sadd.s32 $0x15000, s28;
	[bflag:$0x0] =	sbarrier.arrive $0xFFFF  }
0x17: {  	[tilespmem:s14], [sflag:$0x2] =	stream.indirect.gather [hbm4b:s12+s13], $0x10, s3, s13, $0xb8;
	[tilespmem:$0x17020] =	vst v63  }
0x18: {  	_ =	swait.ge [sflag:s15], $0x7D00  }
0x19: {  	[sflag:s15] =	ssyncset.done $0x0  }
0x1a: {  	[sflag:s15] =	ssyncadd.s32 $0xFFFF8300  }
0x1b: {  	[spmem:s2] =	stream.indirect.scatter.add.f32 [tilespmem:s14], [sflag:$0x4], $0x10, s10, s13, $0xb8;
	[tilespmem:$0x17020] =	vst v63  }
0x1c: {  	s16 =	simm.s32 $0xCB20;
	s17 =	simm.s32 $0x3  }
0x1d: {  	[tilespmem:s16], [sflag:$0x3] =	stream.indirect.gather [hbm4b:s12+s13], $0x10, s13, s13, $0xb8;
	[tilespmem:$0x17020] =	vst v63  }
0x1e: {  	_ =	swait.ge [sflag:s17], $0x7D00  }
0x1f: {  	[sflag:s17] =	ssyncset.done $0x0  }
0x20: {  	s18 =	simm.s32 $0x4;
	[sflag:s17] =	ssyncadd.s32 $0xFFFF8300  }
0x21: {  	_ =	swait.ge [sflag:s18], $0x7D00  }
0x22: {  	[sflag:s18] =	ssyncset.done $0x0  }
0x23: {  	s19 =	simm.s32 $0x2EE0;
	[sflag:s18] =	ssyncadd.s32 $0xFFFF8300  }
0x24: {  	[spmem:s2] =	stream.indirect.scatter.add.f32 [tilespmem:s16], [sflag:$0x5], $0x10, s19, s13, $0xb8;
	[tilespmem:$0x17020] =	vst v63  }
0x25: {  	s20 =	simm.s32 $0xFA0  }
0x26: {  	[tilespmem:s14], [sflag:$0x2] =	stream.indirect.gather [hbm4b:s12+s13], $0x10, s20, s13, $0xb8;
	[tilespmem:$0x17020] =	vst v63  }
0x27: {  	_ =	swait.ge [sflag:s15], $0x7D00  }
0x28: {  	[sflag:s15] =	ssyncset.done $0x0  }
0x29: {  	s21 =	simm.s32 $0x5;
	[sflag:s15] =	ssyncadd.s32 $0xFFFF8300  }
0x2a: {  	_ =	swait.ge [sflag:s21], $0x7D00  }
0x2b: {  	[sflag:s21] =	ssyncset.done $0x0  }
0x2c: {  	s22 =	simm.s32 $0x36B0;
	[sflag:s21] =	ssyncadd.s32 $0xFFFF8300  }
0x2d: {  	[spmem:s2] =	stream.indirect.scatter.add.f32 [tilespmem:s14], [sflag:$0x4], $0x10, s22, s13, $0xb8;
	[tilespmem:$0x17020] =	vst v63  }
0x2e: {  	s23 =	simm.s32 $0x1770  }
0x2f: {  	[tilespmem:s16], [sflag:$0x3] =	stream.indirect.gather [hbm4b:s12+s13], $0x10, s23, s13, $0xb8;
	[tilespmem:$0x17020] =	vst v63  }
0x30: {  	_ =	swait.ge [sflag:s17], $0x7D00  }
0x31: {  	[sflag:s17] =	ssyncset.done $0x0  }
0x32: {  	[sflag:s17] =	ssyncadd.s32 $0xFFFF8300  }
0x33: {  	_ =	swait.ge [sflag:s18], $0x7D00  }
0x34: {  	[sflag:s18] =	ssyncset.done $0x0  }
0x35: {  	s24 =	simm.s32 $0x3E80;
	[sflag:s18] =	ssyncadd.s32 $0xFFFF8300  }
0x36: {  	[spmem:s2] =	stream.indirect.scatter.add.f32 [tilespmem:s16], [sflag:$0x5], $0x10, s24, s13, $0xb8;
	[tilespmem:$0x17020] =	vst v63  }
0x37: {  	s25 =	simm.s32 $0x1F40  }
0x38: {  	[tilespmem:s14], [sflag:$0x2] =	stream.indirect.gather [hbm4b:s12+s13], $0x10, s25, s13, $0xb8;
	[tilespmem:$0x17020] =	vst v63  }
0x39: {  	s31 =	smul.u32 $0x28000, s29;
	_ =	swait.ge [sflag:s15], $0x7D00  }
0x3a: {  	[sflag:s15] =	ssyncset.done $0x0  }
0x3b: {  	s31 =	sadd.s32 s26, s31;
	[sflag:s15] =	ssyncadd.s32 $0xFFFF8300  }
0x3c: {  	s29 =	ssub.s32 $0x2, s29;
	s31 =	sshrl.u32 s31, $0x3;
	_ =	swait.ge [sflag:s21], $0x7D00  }
0x3d: {  	s28 =	sadd.s32 s31, s28;
	s31 =	sshrl.u32 s29, $0x1;
	[sflag:s21] =	ssyncset.done $0x0  }
0x3e: {  	s26 =	simm.s32 $0x4650;
	s29 =	ssub.s32 s29, s31;
	[sflag:s21] =	ssyncadd.s32 $0xFFFF8300  }
0x3f: {  	[spmem:s2] =	stream.indirect.scatter.add.f32 [tilespmem:s14], [sflag:$0x4], $0x10, s26, s13, $0xb8;
	[tilespmem:$0x17020] =	vst v63  }
0x40: {  	s31 =	smax.u32 s29, $0x1;
	_ =	swait.ge [sflag:s18], $0x7D00  }
0x41: {  	p0 =	sne.s32 s31, $0x1;
	[sflag:s18] =	ssyncset.done $0x0  }
.Ltmp0:
0x42: {  	[sflag:s18] =	ssyncadd.s32 $0xFFFF8300;
	(pc) =	sbr.rel @!p0 .LBB2_2-.Ltmp0, $4  }
0x43: {  	s28 =	sadd.s32 $0x1F000, s28;
	s29 =	sor.u32 $0x1C06, s30;
	[bflag:$0x0] =	sbarrier.arrive $0xFFFF  }
0x44: {  	[hbm:s28], [sflag:s29] =	dma.local [spmem:s8], $0x500  }
0x45: {  	_ =	swait.ge [sflag:s7], $0x500  }
0x46: {  	s30 =	sadd.s32 $0xFFFFFFFF, s31;
	[sflag:s7] =	ssyncset.done $0x0  }
.LBB2_1:
0x47: {  	p0 =	sne.s32 s30, $0x1;
	s30 =	sadd.s32 $0xFFFFFFFF, s30;
	[sflag:s7] =	ssyncadd.s32 $0xFFFFFB00  }
0x48: {  	[spmem:s8], [sflag:s5] =	dma.local [hbm:s4], $0x500  }
0x49: {  	[tilespmem:s3], [sflag:$0x6] =	stream.linear.gather [hbm4b:s6+s3], $0x2710, $0x38;
	[tilespmem:$0x17020] =	vst v63  }
0x4a: {  	_ =	swait.ge [sflag:s7], $0x2710  }
0x4b: {  	[sflag:s7] =	ssyncset.done $0x0  }
0x4c: {  	[sflag:s7] =	ssyncadd.s32 $0xFFFFD8F0  }
0x4d: {  	[tilespmem:s10], [sflag:$0x6] =	stream.linear.gather [hbm4b:s9+s3], $0x2710, $0x38;
	[tilespmem:$0x17020] =	vst v63  }
0x4e: {  	_ =	swait.ge [sflag:s7], $0x2710  }
0x4f: {  	[sflag:s7] =	ssyncset.done $0x0  }
0x50: {  	[sflag:s7] =	ssyncadd.s32 $0xFFFFD8F0  }
0x51: {  	_ =	swait.ge [sflag:s11], $0x500  }
0x52: {  	[sflag:s11] =	ssyncset.done $0x0  }
0x53: {  	[sflag:s11] =	ssyncadd.s32 $0xFFFFFB00  }
0x54: {  	[bflag:$0x0] =	sbarrier.arrive $0xFFFF  }
0x55: {  	[tilespmem:s14], [sflag:$0x2] =	stream.indirect.gather [hbm4b:s12+s13], $0x10, s3, s13, $0xb8;
	[tilespmem:$0x17020] =	vst v63  }
0x56: {  	_ =	swait.ge [sflag:s15], $0x7D00  }
0x57: {  	[sflag:s15] =	ssyncset.done $0x0  }
0x58: {  	[sflag:s15] =	ssyncadd.s32 $0xFFFF8300  }
0x59: {  	[spmem:s2] =	stream.indirect.scatter.add.f32 [tilespmem:s14], [sflag:$0x4], $0x10, s10, s13, $0xb8;
	[tilespmem:$0x17020] =	vst v63  }
0x5a: {  	_ = 	snop  }
0x5b: {  	[tilespmem:s16], [sflag:$0x3] =	stream.indirect.gather [hbm4b:s12+s13], $0x10, s13, s13, $0xb8;
	[tilespmem:$0x17020] =	vst v63  }
0x5c: {  	_ =	swait.ge [sflag:s17], $0x7D00  }
0x5d: {  	[sflag:s17] =	ssyncset.done $0x0  }
0x5e: {  	[sflag:s17] =	ssyncadd.s32 $0xFFFF8300  }
0x5f: {  	_ =	swait.ge [sflag:s18], $0x7D00  }
0x60: {  	[sflag:s18] =	ssyncset.done $0x0  }
0x61: {  	[sflag:s18] =	ssyncadd.s32 $0xFFFF8300  }
0x62: {  	[spmem:s2] =	stream.indirect.scatter.add.f32 [tilespmem:s16], [sflag:$0x5], $0x10, s19, s13, $0xb8;
	[tilespmem:$0x17020] =	vst v63  }
0x63: {  	_ = 	snop  }
0x64: {  	[tilespmem:s14], [sflag:$0x2] =	stream.indirect.gather [hbm4b:s12+s13], $0x10, s20, s13, $0xb8;
	[tilespmem:$0x17020] =	vst v63  }
0x65: {  	_ =	swait.ge [sflag:s15], $0x7D00  }
0x66: {  	[sflag:s15] =	ssyncset.done $0x0  }
0x67: {  	[sflag:s15] =	ssyncadd.s32 $0xFFFF8300  }
0x68: {  	_ =	swait.ge [sflag:s21], $0x7D00  }
0x69: {  	[sflag:s21] =	ssyncset.done $0x0  }
0x6a: {  	[sflag:s21] =	ssyncadd.s32 $0xFFFF8300  }
0x6b: {  	[spmem:s2] =	stream.indirect.scatter.add.f32 [tilespmem:s14], [sflag:$0x4], $0x10, s22, s13, $0xb8;
	[tilespmem:$0x17020] =	vst v63  }
0x6c: {  	_ = 	snop  }
0x6d: {  	[tilespmem:s16], [sflag:$0x3] =	stream.indirect.gather [hbm4b:s12+s13], $0x10, s23, s13, $0xb8;
	[tilespmem:$0x17020] =	vst v63  }
0x6e: {  	_ =	swait.ge [sflag:s17], $0x7D00  }
0x6f: {  	[sflag:s17] =	ssyncset.done $0x0  }
0x70: {  	[sflag:s17] =	ssyncadd.s32 $0xFFFF8300  }
0x71: {  	_ =	swait.ge [sflag:s18], $0x7D00  }
0x72: {  	[sflag:s18] =	ssyncset.done $0x0  }
0x73: {  	[sflag:s18] =	ssyncadd.s32 $0xFFFF8300  }
0x74: {  	[spmem:s2] =	stream.indirect.scatter.add.f32 [tilespmem:s16], [sflag:$0x5], $0x10, s24, s13, $0xb8;
	[tilespmem:$0x17020] =	vst v63  }
0x75: {  	_ = 	snop  }
0x76: {  	[tilespmem:s14], [sflag:$0x2] =	stream.indirect.gather [hbm4b:s12+s13], $0x10, s25, s13, $0xb8;
	[tilespmem:$0x17020] =	vst v63  }
0x77: {  	_ =	swait.ge [sflag:s15], $0x7D00  }
0x78: {  	[sflag:s15] =	ssyncset.done $0x0  }
0x79: {  	[sflag:s15] =	ssyncadd.s32 $0xFFFF8300  }
0x7a: {  	_ =	swait.ge [sflag:s21], $0x7D00  }
0x7b: {  	[sflag:s21] =	ssyncset.done $0x0  }
0x7c: {  	[sflag:s21] =	ssyncadd.s32 $0xFFFF8300  }
0x7d: {  	[spmem:s2] =	stream.indirect.scatter.add.f32 [tilespmem:s14], [sflag:$0x4], $0x10, s26, s13, $0xb8;
	[tilespmem:$0x17020] =	vst v63  }
0x7e: {  	_ =	swait.ge [sflag:s18], $0x7D00  }
0x7f: {  	[sflag:s18] =	ssyncset.done $0x0  }
.Ltmp1:
0x80: {  	[sflag:s18] =	ssyncadd.s32 $0xFFFF8300;
	(pc) =	sbr.rel @p0 .LBB2_1-.Ltmp1, $4  }
0x81: {  	[bflag:$0x0] =	sbarrier.arrive $0xFFFF  }
0x82: {  	[hbm:s28], [sflag:s29] =	dma.local [spmem:s8], $0x500  }
0x83: {  	_ =	swait.ge [sflag:s7], $0x500  }
0x84: {  	[sflag:s7] =	ssyncset.done $0x0  }
.LBB2_2:
0x85: {  	[sflag:s7] =	ssyncadd.s32 $0xFFFFFB00  }
0x86: {  	_ =	sfence.sel $0x180000  }
0x87: {  	[bflag:$0x0] =	sbarrier.arrive $0xFFFF  }
0x88: {  	p0 =	sne.s32 s1, $0x0;
	_ =	strace $0x9000004A  }
0x89: {  	s0 =	sadd.s32 @!p0 $0x100000, s0;
	[bflag:$0x2] =	sbarrier.arrive $0xFFFF  }
0x8a: {  	[sflag:s0] =	ssyncadd.tile.s32 @!p0 $0x1;
	_ =	shalt  }
.Lfunc_end2:
_tile_overlayer_lowered:
.L_overlay_start_2:
0x8b: {  	(tag) =	ssettag $0x2  }
0x8c: {  	s0 =	rddreg [dreg:$0x0];
	s2 =	stileid.u32  }
0x8d: {  	s1 =	rddreg [dreg:$0x1];
	p0 =	sne.s32 s2, $0x0  }
0x8e: {  	s3 =	rddreg [dreg:$0x2];
	[bflag:$0x3] =	sbarrier.arrive $0xFFFF;
	s2 =	simm.s32 @!p0 $0x1C06  }
0x8f: {  	[timem:s3], [sflag:s2] =	dma.local @!p0 [hbm:s0], s1  }
0x90: {  	s0 =	simm.s32 @!p0 $0x6  }
0x91: {  	_ =	swait.ge @!p0 [sflag:s0], s1  }
0x92: {  	s1 =	ssub.s32 @!p0 $0x0, s1;
	[sflag:s0] =	ssyncset.done @!p0 $0x0  }
0x93: {  	[sflag:s0] =	ssyncadd.s32 @!p0 s1  }
0x94: {  	[bflag:$0x3] =	sbarrier.arrive $0xFFFF  }
0x95: {  	_ =	shalt  }

// kernel: kernel.14.cloned.1.call-start
scs
__scs_entry_jumppad:
0x0: {  	(pc) =	sbr.rel $0x88, $3  }
0x1: {  	(tag) =	ssettag $0x0;
	lr =	simm.s32 $0x1  }
0x2: {  	[smem:$0x3F9B] =	sst lr;
	_ =	strace $0xD0000000  }
0x3: {  	_ = 	snop  }
0x4: {  	_ = 	snop  }
0x5: {  	_ = 	snop  }
0x6: {  	_ = 	snop  }
0x7: {  	_ = 	snop  }
__scs_overlays_trampoline_lowered:
0x8: {  	[smem:$0x3FAA] =	sst s0  }
0x9: {  	[smem:$0x3FAB] =	sst s1  }
0xa: {  	[smem:$0x3FAC] =	sst s2  }
0xb: {  	[smem:$0x3FAD] =	sst s3  }
0xc: {  	[smem:$0x3FAE] =	sst s4  }
0xd: {  	[smem:$0x3FAF] =	sst s5  }
0xe: {  	[smem:$0x3FB0] =	sst s6  }
0xf: {  	[smem:$0x3FB1] =	sst s7  }
0x10: {  	[smem:$0x3FB2] =	sst s8  }
0x11: {  	[smem:$0x3FB3] =	sst s9;
	s0 =	simm.s32 @!p0 $0x0  }
0x12: {  	s1 =	sld [smem:$0x3F99];
	s0 =	simm.s32 @p0 $0x1  }
0x13: {  	[smem:$0x3FB4] =	sst s0;
	s0 =	simm.s32 @!p1 $0x0  }
0x14: {  	s2 =	sld [smem:$0x3F98];
	s0 =	simm.s32 @p1 $0x1  }
0x15: {  	[smem:$0x3FB5] =	sst s0;
	s0 =	simm.s32 @!p2 $0x0  }
0x16: {  	s3 =	sld [smem:$0x3FDB];
	s0 =	simm.s32 @p2 $0x1  }
0x17: {  	s4 =	simm.s32 $0x1BF5;
	[smem:$0x3FB7] =	sst s0  }
0x18: {  	s0 =	sld [smem:$0x3F9A];
	_ =	swait.ge [sflag:s4], $0x0  }
0x19: {  	s7 =	sld [smem:$0x3F9B]  }
0x1a: {  	s8 =	sadd.s32 $0xFFFFE003, lr  }
0x1b: {  	s9 =	sadd.s32 $0xFFFFFEF7, lr;
	s5 =	simm.s32 $0xFFFFFFFF;
	p2 =	slt.u32 s8, $0xFFFFF086  }
0x1c: {  	p1 =	slt.u32 s9, $0xF7A;
	s5 =	simm.s32 @!p2 $0x0  }
0x1d: {  	s5 =	simm.s32 @p1 $0x1;
	p0 =	seq.s32 s7, s2  }
0x1e: {  	s7 =	smul.u32 @!p0 $0xF7A, s2;
	p2 =	seq.s32 @!p0 s5, $0x0  }
0x1f: {  	s9 =	smul.u32 $0xF7A, s1;
	s8 =	simm.s32 @!p0 $0x1BF5;
	p2 =	por !p2, p0  }
0x20: {  	[sflag:s8] =	ssyncset.s32 @!p0 $0xFFFFF086;
	s6 =	sadd.s32 @!p0 s3, s7;
	s7 =	simm.s32 @!p0 $0x108  }
0x21: {  	s3 =	sadd.s32 s3, s9;
	s6 =	sadd.s32 @!p0 $0x88, s6;
	s7 =	simm.s32 @p2 $0x1082  }
0x22: {  	[simem:s7], [sflag:s8] =	dma.local @!p0 [hbm:s6], $0xF7A  }
0x23: {  	s9 =	sor.u32 $0xD0000000, s2;
	s6 =	simm.s32 $0x108;
	_ =	swait.ge @!p0 [sflag:s8], $0x0  }
0x24: {  	s3 =	sadd.s32 $0x88, s3;
	s6 =	simm.s32 @!p1 $0x1082;
	[sflag:s4] =	ssyncset.s32 $0xFFFFF086  }
0x25: {  	[simem:s6], [sflag:s4] =	dma.local [hbm:s3], $0xF7A  }
0x26: {  	[smem:$0x3F9B] =	sst s1;
	(tag) =	ssettag s2;
	_ =	strace s9  }
0x27: {  	s1 =	sld [smem:$0x3FAB]  }
0x28: {  	s2 =	sld [smem:$0x3FAC]  }
0x29: {  	s4 =	sld [smem:$0x3FAE]  }
0x2a: {  	p0 =	seq.s32 s5, $0x0;
	s5 =	sld [smem:$0x3FAF]  }
0x2b: {  	s6 =	sld [smem:$0x3FB0]  }
0x2c: {  	s7 =	sld [smem:$0x3FB1]  }
0x2d: {  	s3 =	simm.s32 $0x108;
	s8 =	sld [smem:$0x3FB2]  }
0x2e: {  	s3 =	simm.s32 @!p0 $0x1082;
	s9 =	sld [smem:$0x3FB3]  }
0x2f: {  	lr =	sadd.s32 s0, s3;
	s0 =	sld [smem:$0x3FAA]  }
0x30: {  	s3 =	sld [smem:$0x3FAD]  }
0x31: {  	[smem:$0x3FB6] =	sst s10  }
0x32: {  	s10 =	sld [smem:$0x3FB4];
	_ =	sdelay $0x3  }
0x33: {  	p0 =	seq.s32 s10, $0x1;
	s10 =	sld [smem:$0x3FB6];
	_ =	sdelay $0x3  }
0x34: {  	[smem:$0x3FB6] =	sst s10  }
0x35: {  	s10 =	sld [smem:$0x3FB5];
	_ =	sdelay $0x3  }
0x36: {  	p1 =	seq.s32 s10, $0x1;
	s10 =	sld [smem:$0x3FB6];
	_ =	sdelay $0x3  }
0x37: {  	[smem:$0x3FB6] =	sst s10  }
0x38: {  	s10 =	sld [smem:$0x3FB7]  }
0x39: {  	_ = 	snop;
	(pc) =	sbr.ind lr, $3  }
0x3a: {  	_ = 	snop  }
0x3b: {  	_ = 	snop  }
0x3c: {  	p2 =	seq.s32 s10, $0x1;
	s10 =	sld [smem:$0x3FB6]  }
0x3d: {  	_ =	shalt  }
0x3e: {  	_ =	shalt  }
0x3f: {  	_ =	shalt  }
0x40: {  	_ =	shalt  }
0x41: {  	_ =	shalt  }
0x42: {  	_ =	shalt  }
0x43: {  	_ =	shalt  }
0x44: {  	_ =	shalt  }
0x45: {  	_ =	shalt  }
0x46: {  	_ =	shalt  }
0x47: {  	_ =	shalt  }
0x48: {  	_ =	shalt  }
0x49: {  	_ =	shalt  }
0x4a: {  	_ =	shalt  }
0x4b: {  	_ =	shalt  }
0x4c: {  	_ =	shalt  }
0x4d: {  	_ =	shalt  }
0x4e: {  	_ =	shalt  }
0x4f: {  	_ =	shalt  }
0x50: {  	_ =	shalt  }
0x51: {  	_ =	shalt  }
0x52: {  	_ =	shalt  }
0x53: {  	_ =	shalt  }
0x54: {  	_ =	shalt  }
0x55: {  	_ =	shalt  }
0x56: {  	_ =	shalt  }
0x57: {  	_ =	shalt  }
0x58: {  	_ =	shalt  }
0x59: {  	_ =	shalt  }
0x5a: {  	_ =	shalt  }
0x5b: {  	_ =	shalt  }
0x5c: {  	_ =	shalt  }
0x5d: {  	_ =	shalt  }
0x5e: {  	_ =	shalt  }
0x5f: {  	_ =	shalt  }
0x60: {  	_ =	shalt  }
0x61: {  	_ =	shalt  }
0x62: {  	_ =	shalt  }
0x63: {  	_ =	shalt  }
0x64: {  	_ =	shalt  }
0x65: {  	_ =	shalt  }
0x66: {  	_ =	shalt  }
0x67: {  	_ =	shalt  }
0x68: {  	_ =	shalt  }
0x69: {  	_ =	shalt  }
0x6a: {  	_ =	shalt  }
0x6b: {  	_ =	shalt  }
0x6c: {  	_ =	shalt  }
0x6d: {  	_ =	shalt  }
0x6e: {  	_ =	shalt  }
0x6f: {  	_ =	shalt  }
0x70: {  	_ =	shalt  }
0x71: {  	_ =	shalt  }
0x72: {  	_ =	shalt  }
0x73: {  	_ =	shalt  }
0x74: {  	_ =	shalt  }
0x75: {  	_ =	shalt  }
0x76: {  	_ =	shalt  }
0x77: {  	_ =	shalt  }
0x78: {  	_ =	shalt  }
0x79: {  	_ =	shalt  }
0x7a: {  	_ =	shalt  }
0x7b: {  	_ =	shalt  }
0x7c: {  	_ =	shalt  }
0x7d: {  	_ =	shalt  }
0x7e: {  	_ =	shalt  }
0x7f: {  	_ =	shalt  }
0x80: {  	_ =	shalt  }
0x81: {  	_ =	shalt  }
0x82: {  	_ =	shalt  }
0x83: {  	_ =	shalt  }
0x84: {  	_ =	shalt  }
0x85: {  	_ =	shalt  }
0x86: {  	_ =	shalt  }
0x87: {  	_ =	shalt  }
.Lfunc_end0:
.L_simem_size_0:
called_computation.2_lowered:
.L_overlay_start_0:
0x88: {  	s2 =	sld [smem:$0x3FD9]  }
0x89: {  	s3 =	sld [smem:$0x3FFE];
	_ =	sdelay $0x1  }
0x8a: {  	s1 =	srdreg.scid  }
0x8b: {  	s0 =	sand.u32 $0x1, s1  }
0x8c: {  	s16 =	sshll.u32 s0, $0xA;
	s2 =	sadd.s32 s3, s2  }
0x8d: {  	s2 =	sadd.s32 s2, s16  }
0x8e: {  	[smem:$0x3FC2] =	sst s2  }
0x8f: {  	_ = 	snop  }
0x90: {  	(tm) =	ssettm $0x1  }
0x91: {  	s17 =	sld [smem:$0x3FFB];
	_ =	sdelay $0x3  }
0x92: {  	_ =	strace s17  }
0x93: {  	s2 =	sld [smem:$0x3FFC];
	_ =	sdelay $0x3  }
0x94: {  	_ =	strace s2  }
0x95: {  	s2 =	sld [smem:$0x3FFD];
	_ =	sdelay $0x3  }
0x96: {  	_ =	strace s2  }
0x97: {  	_ =	strace $0x8FFFFFFF  }
0x98: {  	s18 =	sld [smem:$0x3FDB];
	_ =	sdelay $0x1  }
0x99: {  	s19 =	simm.s32 $_scs_section_size  }
0x9a: {  	s4 =	simm.s32 $_size__tile_overlayer_lowered;
	s5 =	simm.s32 $_tile_overlayer_lowered  }
0x9b: {  	s22 =	simm.s32 $0x1BFF;
	s21 =	sshll.u32 s5, $0x1;
	s2 =	sadd.s32 s19, s18  }
0x9c: {  	s6 =	simm.s32 $0x0;
	s20 =	sshll.u32 s4, $0x1;
	s4 =	sadd.s32 s21, s2  }
0x9d: {  	[timem:s6], [sflag:s22] =	dma.local [hbm:s4], s20  }
0x9e: {  	_ =	swait.ge [sflag:s22], s20  }
0x9f: {  	s3 =	ssub.s32 $0x0, s20;
	[sflag:s22] =	ssyncset.done $0x0  }
0xa0: {  	[sflag:s22] =	ssyncadd.s32 s3;
	_ =	sdelay $0x1  }
0xa1: {  	s23 =	simm.s32 $0x1B8B  }
0xa2: {  	_ =	swait.ge [sflag:s23], $0x1  }
0xa3: {  	[sflag:s23] =	ssyncset.done $0x0  }
0xa4: {  	s25 =	simm.s32 $0x1B8E;
	s24 =	sld [smem:$0x3FFE];
	[sflag:s23] =	ssyncadd.s32 $0xFFFFFFFF  }
0xa5: {  	s26 =	simm.s32 $execute0_lowered;
	[smem:$0x3FD2] =	sst s25  }
0xa6: {  	s4 =	sshll.u32 s26, $0x1;
	_ =	strace $0x8000004C;
	[dreg:$0x1] =	wrdreg $0xFFFFFFFF  }
0xa7: {  	s28 =	simm.s32 $_size_execute0_lowered;
	s2 =	sadd.s32 s2, s4;
	[dreg:$0x0] =	wrdreg $0x0  }
0xa8: {  	s4 =	sshll.u32 s28, $0x1;
	[dreg:$0x2] =	wrdreg s2  }
0xa9: {  	[dreg:$0x3] =	wrdreg s4  }
0xaa: {  	[dreg:$0x4] =	wrdreg $0xC0  }
0xab: {  	_ =	task [dreg:s6], $0x5FFFF  }
0xac: {  	[dreg:$0x1] =	wrdreg $0xFFFFFFFF  }
0xad: {  	[dreg:$0x0] =	wrdreg $0x60  }
0xae: {  	[dreg:$0x2] =	wrdreg s24  }
0xaf: {  	[dreg:$0x3] =	wrdreg $0x9D300  }
0xb0: {  	[dreg:$0x4] =	wrdreg $0x9  }
0xb1: {  	_ =	task.clear_ibuf [dreg:s6], $0x5FFFF;
	_ =	strace $0x9000004C  }
0xb2: {  	s29 =	simm.s32 $0x9;
	_ =	strace $0x8000004E  }
0xb3: {  	_ =	swait.ge [sflag:s29], $0x1  }
0xb4: {  	[sflag:s29] =	ssyncadd.s32 $0xFFFFFFFF  }
0xb5: {  	_ =	strace $0x9000004E  }
0xb6: {  	_ =	sfence  }
0xb7: {  	s30 =	sld [smem:$0x0];
	_ =	sdelay $0x2  }
0xb8: {  	s31 =	sshll.u32 s1, $0xD;
	s1 =	sshrl.u32 s1, $0x2  }
0xb9: {  	s3 =	sand.u32 $0x4000, s31;
	s1 =	sadd.s32 s1, s30  }
0xba: {  	s0 =	sor.u32 s3, s0;
	s1 =	sshll.u32 s1, $0x11  }
0xbb: {  	s0 =	sor.u32 s1, s0  }
0xbc: {  	s0 =	sadd.s32 $0x8F2B, s0  }
0xbd: {  	[sflag:s0] =	ssyncadd.remote.s32 $0x1  }
0xbe: {  	_ =	sfence.sel $0xFFFF  }
0xbf: {  	[dreg:$0x0] =	wrdreg $0xFFFFFFFF;
	(pc) =	sbr.abs _section_cstart, $3  }
0xc0: {  	[dreg:$0x1] =	wrdreg $0xFFFFFFFF  }
0xc1: {  	_ =	task.clear_ibuf [dreg:s6], $0x2FFFF;
	_ =	strace $0x9FFFFFFF  }
0xc2: {  	(tm) =	ssettm $0x7FFFFFFF  }
0xc3: {  	_ =	shalt  }
tec
execute0_lowered:
.L_overlay_start_1:
0x0: {  	(tag) =	ssettag $0x1  }
0x1: {  	s1 =	srdreg.scid;
	s6 =	rddreg [dreg:$0x0]  }
0x2: {  	s0 =	stileid.u32;
	s2 =	rddreg [dreg:$0x1]  }
0x3: {  	s3 =	simm.s32 $0x0;
	s13 =	simm.s32 $0x2710;
	s14 =	simm.s32 $0x7530  }
0x4: {  	s15 =	simm.s32 $0x1;
	s16 =	simm.s32 $0x4E20;
	s18 =	simm.s32 $0x0  }
0x5: {  	s5 =	sand.u32 $0x1, s1;
	s30 =	sshll.u32 s0, $0x1;
	s8 =	smul.u32 $0x280, s0  }
0x6: {  	[smem:$0x7FF] =	sst s3;
	s4 =	sadd.s32 $0x15000, s6;
	s17 =	sshll.u32 s0, $0x6  }
0x7: {  	s1 =	sor.u32 s5, s30;
	s9 =	smul.u32 $0x2800, s5;
	s5 =	ssub.s32 $0x2, s5  }
0x8: {  	s7 =	smul.u32 $0x4E2, s1;
	s1 =	rddreg [dreg:$0x2];
	_ =	strace $0x8000004D  }
0x9: {  	s31 =	sshrl.u32 s8, $0x3;
	s11 =	sshrl.u32 s5, $0x1;
	s9 =	sadd.s32 s8, s9  }
0xa: {  	s12 =	sadd.s32 s8, s2;
	s11 =	ssub.s32 s5, s11;
	s9 =	sshrl.u32 s9, $0x3  }
0xb: {  	s10 =	sadd.s32 s7, s6;
	s7 =	sadd.s32 s31, s6;
	s9 =	sadd.s32 s9, s6  }
0xc: {  	s5 =	sadd.s32 $0x14A00, s7;
	s6 =	sor.u32 $0x1C01, s17;
	s7 =	sadd.s32 $0xE00, s10  }
0xd: {  	s8 =	sadd.s32 $0xAC00, s10;
	s10 =	smax.u32 s11, $0x1;
	s11 =	sshrl.u32 s12, $0x3  }
0xe: {  	s12 =	simm.s32 $0x2;
	s17 =	sor.u32 $0x1C02, s17;
	s9 =	sadd.s32 $0x15600, s9  }
.LBB2_1:
0xf: {  	[spmem:s11], [sflag:s6] =	dma.local [hbm:s5], $0x50  }
0x10: {  	[tilespmem:s3], [sflag:$0x2] =	stream.linear.gather [hbm4b:s7+s3], $0x2710, $0x38;
	[tilespmem:$0x9FB0] =	vst v63  }
0x11: {  	_ =	swait.ge [sflag:s12], $0x2710  }
0x12: {  	[sflag:s12] =	ssyncset.done $0x0  }
0x13: {  	[sflag:s12] =	ssyncadd.s32 $0xFFFFD8F0  }
0x14: {  	[tilespmem:s13], [sflag:$0x2] =	stream.linear.gather [hbm4b:s8+s3], $0x2710, $0x38;
	[tilespmem:$0x9FB0] =	vst v63  }
0x15: {  	_ =	swait.ge [sflag:s12], $0x2710  }
0x16: {  	[sflag:s12] =	ssyncset.done $0x0  }
0x17: {  	[sflag:s12] =	ssyncadd.s32 $0xFFFFD8F0  }
0x18: {  	[tilespmem:s14], [sflag:$0x2] =	stream.linear.gather [hbm4b:s4+s3], $0x2800, $0x38;
	[tilespmem:$0x9FB0] =	vst v63  }
0x19: {  	_ =	swait.ge [sflag:s12], $0x2800  }
0x1a: {  	[sflag:s12] =	ssyncset.done $0x0  }
0x1b: {  	s19 =	simm.s32 $0x0;
	[sflag:s12] =	ssyncadd.s32 $0xFFFFD800  }
0x1c: {  	v0 =	vld [tilespmem:s19+$0x0];
	_ =	sdelay $0x7  }
0x1d: {  	s20 =	simm.s32 $0x10;
	s21 =	simm.s32 $0x80;
	v0 =	vld.idx.msk [tilespmem:v0+s14+$0x0], $0xffff  }
.LBB2_2:
0x1e: {  	p0 =	sne.s32 s21, $0x9C00;
	v1 =	vld [tilespmem:s20+$0x0];
	_ =	sdelay $0x3  }
.Ltmp0:
0x1f: {  	(pc) =	sbr.rel @p0 .LBB2_2-.Ltmp0, $2  }
0x20: {  	[tilespmem:s19+$0x4E20] =	vst v0;
	s19 =	smov.u32 s20;
	_ =	sdelay $0x2  }
0x21: {  	s20 =	sshra.s32 s21, $0x2;
	s21 =	sadd.s32 $0x40, s21;
	v0 =	vld.idx.msk [tilespmem:v1+s14+$0x0], $0xffff  }
0x22: {  	v1 =	vld [tilespmem:s20+$0x0];
	_ =	sdelay $0x6  }
0x23: {  	[tilespmem:s19+$0x4E20] =	vst v0  }
0x24: {  	v0 =	vld.idx.msk [tilespmem:v1+s14+$0x0], $0xffff;
	_ =	sdelay $0x4  }
0x25: {  	[tilespmem:s20+$0x4E20] =	vst v0  }
0x26: {  	_ =	swait.ge [sflag:s15], $0x50  }
0x27: {  	[sflag:s15] =	ssyncset.done $0x0  }
0x28: {  	[sflag:s15] =	ssyncadd.s32 $0xFFFFFFB0  }
0x29: {  	[bflag:$0x0] =	sbarrier.arrive $0xFFFF  }
0x2a: {  	[spmem:s2] =	stream.indirect.scatter.add.f32 [tilespmem:s16], [sflag:$0x2], $0x1, s13, s13, $0xb8;
	[tilespmem:$0x9FB0] =	vst v63  }
0x2b: {  	_ =	swait.ge [sflag:s12], $0x2710  }
0x2c: {  	s18 =	sadd.s32 $0x1, s18;
	[sflag:s12] =	ssyncset.done $0x0  }
0x2d: {  	p0 =	sne.s32 s18, s10;
	[sflag:s12] =	ssyncadd.s32 $0xFFFFD8F0  }
.Ltmp1:
0x2e: {  	[bflag:$0x0] =	sbarrier.arrive $0xFFFF;
	(pc) =	sbr.rel @p0 .LBB2_1-.Ltmp1, $4  }
0x2f: {  	[hbm:s9], [sflag:s17] =	dma.local [spmem:s11], $0x50  }
0x30: {  	_ =	swait.ge [sflag:s12], $0x50  }
0x31: {  	[sflag:s12] =	ssyncset.done $0x0  }
0x32: {  	[sflag:s12] =	ssyncadd.s32 $0xFFFFFFB0  }
0x33: {  	_ =	sfence.sel $0x180000  }
0x34: {  	[bflag:$0x0] =	sbarrier.arrive $0xFFFF  }
0x35: {  	p0 =	sne.s32 s0, $0x0;
	_ =	strace $0x9000004D  }
0x36: {  	s0 =	sadd.s32 @!p0 $0x100000, s1;
	[bflag:$0x2] =	sbarrier.arrive $0xFFFF  }
0x37: {  	[sflag:s0] =	ssyncadd.tile.s32 @!p0 $0x1;
	_ =	shalt  }
.Lfunc_end2:
_tile_overlayer_lowered:
.L_overlay_start_2:
0x38: {  	(tag) =	ssettag $0x2  }
0x39: {  	s0 =	rddreg [dreg:$0x0];
	s2 =	stileid.u32  }
0x3a: {  	s1 =	rddreg [dreg:$0x1];
	p0 =	sne.s32 s2, $0x0  }
0x3b: {  	s3 =	rddreg [dreg:$0x2];
	[bflag:$0x3] =	sbarrier.arrive $0xFFFF;
	s2 =	simm.s32 @!p0 $0x1C02  }
0x3c: {  	[timem:s3], [sflag:s2] =	dma.local @!p0 [hbm:s0], s1  }
0x3d: {  	s0 =	simm.s32 @!p0 $0x2  }
0x3e: {  	_ =	swait.ge @!p0 [sflag:s0], s1  }
0x3f: {  	s1 =	ssub.s32 @!p0 $0x0, s1;
	[sflag:s0] =	ssyncset.done @!p0 $0x0  }
0x40: {  	[sflag:s0] =	ssyncadd.s32 @!p0 s1  }
0x41: {  	[bflag:$0x3] =	sbarrier.arrive $0xFFFF  }
0x42: {  	_ =	shalt  }

// kernel: kernel.8.cloned.1.call-start
scs
__scs_entry_jumppad:
0x0: {  	(pc) =	sbr.rel $0x88, $3  }
0x1: {  	(tag) =	ssettag $0x0;
	lr =	simm.s32 $0x1  }
0x2: {  	[smem:$0x3F9B] =	sst lr;
	_ =	strace $0xD0000000  }
0x3: {  	_ = 	snop  }
0x4: {  	_ = 	snop  }
0x5: {  	_ = 	snop  }
0x6: {  	_ = 	snop  }
0x7: {  	_ = 	snop  }
__scs_overlays_trampoline_lowered:
0x8: {  	[smem:$0x3FAA] =	sst s0  }
0x9: {  	[smem:$0x3FAB] =	sst s1  }
0xa: {  	[smem:$0x3FAC] =	sst s2  }
0xb: {  	[smem:$0x3FAD] =	sst s3  }
0xc: {  	[smem:$0x3FAE] =	sst s4  }
0xd: {  	[smem:$0x3FAF] =	sst s5  }
0xe: {  	[smem:$0x3FB0] =	sst s6  }
0xf: {  	[smem:$0x3FB1] =	sst s7  }
0x10: {  	[smem:$0x3FB2] =	sst s8  }
0x11: {  	[smem:$0x3FB3] =	sst s9;
	s0 =	simm.s32 @!p0 $0x0  }
0x12: {  	s1 =	sld [smem:$0x3F99];
	s0 =	simm.s32 @p0 $0x1  }
0x13: {  	[smem:$0x3FB4] =	sst s0;
	s0 =	simm.s32 @!p1 $0x0  }
0x14: {  	s2 =	sld [smem:$0x3F98];
	s0 =	simm.s32 @p1 $0x1  }
0x15: {  	[smem:$0x3FB5] =	sst s0;
	s0 =	simm.s32 @!p2 $0x0  }
0x16: {  	s3 =	sld [smem:$0x3FDB];
	s0 =	simm.s32 @p2 $0x1  }
0x17: {  	s4 =	simm.s32 $0x1BF5;
	[smem:$0x3FB7] =	sst s0  }
0x18: {  	s0 =	sld [smem:$0x3F9A];
	_ =	swait.ge [sflag:s4], $0x0  }
0x19: {  	s7 =	sld [smem:$0x3F9B]  }
0x1a: {  	s8 =	sadd.s32 $0xFFFFE003, lr  }
0x1b: {  	s9 =	sadd.s32 $0xFFFFFEF7, lr;
	s5 =	simm.s32 $0xFFFFFFFF;
	p2 =	slt.u32 s8, $0xFFFFF086  }
0x1c: {  	p1 =	slt.u32 s9, $0xF7A;
	s5 =	simm.s32 @!p2 $0x0  }
0x1d: {  	s5 =	simm.s32 @p1 $0x1;
	p0 =	seq.s32 s7, s2  }
0x1e: {  	s7 =	smul.u32 @!p0 $0xF7A, s2;
	p2 =	seq.s32 @!p0 s5, $0x0  }
0x1f: {  	s9 =	smul.u32 $0xF7A, s1;
	s8 =	simm.s32 @!p0 $0x1BF5;
	p2 =	por !p2, p0  }
0x20: {  	[sflag:s8] =	ssyncset.s32 @!p0 $0xFFFFF086;
	s6 =	sadd.s32 @!p0 s3, s7;
	s7 =	simm.s32 @!p0 $0x108  }
0x21: {  	s3 =	sadd.s32 s3, s9;
	s6 =	sadd.s32 @!p0 $0x88, s6;
	s7 =	simm.s32 @p2 $0x1082  }
0x22: {  	[simem:s7], [sflag:s8] =	dma.local @!p0 [hbm:s6], $0xF7A  }
0x23: {  	s9 =	sor.u32 $0xD0000000, s2;
	s6 =	simm.s32 $0x108;
	_ =	swait.ge @!p0 [sflag:s8], $0x0  }
0x24: {  	s3 =	sadd.s32 $0x88, s3;
	s6 =	simm.s32 @!p1 $0x1082;
	[sflag:s4] =	ssyncset.s32 $0xFFFFF086  }
0x25: {  	[simem:s6], [sflag:s4] =	dma.local [hbm:s3], $0xF7A  }
0x26: {  	[smem:$0x3F9B] =	sst s1;
	(tag) =	ssettag s2;
	_ =	strace s9  }
0x27: {  	s1 =	sld [smem:$0x3FAB]  }
0x28: {  	s2 =	sld [smem:$0x3FAC]  }
0x29: {  	s4 =	sld [smem:$0x3FAE]  }
0x2a: {  	p0 =	seq.s32 s5, $0x0;
	s5 =	sld [smem:$0x3FAF]  }
0x2b: {  	s6 =	sld [smem:$0x3FB0]  }
0x2c: {  	s7 =	sld [smem:$0x3FB1]  }
0x2d: {  	s3 =	simm.s32 $0x108;
	s8 =	sld [smem:$0x3FB2]  }
0x2e: {  	s3 =	simm.s32 @!p0 $0x1082;
	s9 =	sld [smem:$0x3FB3]  }
0x2f: {  	lr =	sadd.s32 s0, s3;
	s0 =	sld [smem:$0x3FAA]  }
0x30: {  	s3 =	sld [smem:$0x3FAD]  }
0x31: {  	[smem:$0x3FB6] =	sst s10  }
0x32: {  	s10 =	sld [smem:$0x3FB4];
	_ =	sdelay $0x3  }
0x33: {  	p0 =	seq.s32 s10, $0x1;
	s10 =	sld [smem:$0x3FB6];
	_ =	sdelay $0x3  }
0x34: {  	[smem:$0x3FB6] =	sst s10  }
0x35: {  	s10 =	sld [smem:$0x3FB5];
	_ =	sdelay $0x3  }
0x36: {  	p1 =	seq.s32 s10, $0x1;
	s10 =	sld [smem:$0x3FB6];
	_ =	sdelay $0x3  }
0x37: {  	[smem:$0x3FB6] =	sst s10  }
0x38: {  	s10 =	sld [smem:$0x3FB7]  }
0x39: {  	_ = 	snop;
	(pc) =	sbr.ind lr, $3  }
0x3a: {  	_ = 	snop  }
0x3b: {  	_ = 	snop  }
0x3c: {  	p2 =	seq.s32 s10, $0x1;
	s10 =	sld [smem:$0x3FB6]  }
0x3d: {  	_ =	shalt  }
0x3e: {  	_ =	shalt  }
0x3f: {  	_ =	shalt  }
0x40: {  	_ =	shalt  }
0x41: {  	_ =	shalt  }
0x42: {  	_ =	shalt  }
0x43: {  	_ =	shalt  }
0x44: {  	_ =	shalt  }
0x45: {  	_ =	shalt  }
0x46: {  	_ =	shalt  }
0x47: {  	_ =	shalt  }
0x48: {  	_ =	shalt  }
0x49: {  	_ =	shalt  }
0x4a: {  	_ =	shalt  }
0x4b: {  	_ =	shalt  }
0x4c: {  	_ =	shalt  }
0x4d: {  	_ =	shalt  }
0x4e: {  	_ =	shalt  }
0x4f: {  	_ =	shalt  }
0x50: {  	_ =	shalt  }
0x51: {  	_ =	shalt  }
0x52: {  	_ =	shalt  }
0x53: {  	_ =	shalt  }
0x54: {  	_ =	shalt  }
0x55: {  	_ =	shalt  }
0x56: {  	_ =	shalt  }
0x57: {  	_ =	shalt  }
0x58: {  	_ =	shalt  }
0x59: {  	_ =	shalt  }
0x5a: {  	_ =	shalt  }
0x5b: {  	_ =	shalt  }
0x5c: {  	_ =	shalt  }
0x5d: {  	_ =	shalt  }
0x5e: {  	_ =	shalt  }
0x5f: {  	_ =	shalt  }
0x60: {  	_ =	shalt  }
0x61: {  	_ =	shalt  }
0x62: {  	_ =	shalt  }
0x63: {  	_ =	shalt  }
0x64: {  	_ =	shalt  }
0x65: {  	_ =	shalt  }
0x66: {  	_ =	shalt  }
0x67: {  	_ =	shalt  }
0x68: {  	_ =	shalt  }
0x69: {  	_ =	shalt  }
0x6a: {  	_ =	shalt  }
0x6b: {  	_ =	shalt  }
0x6c: {  	_ =	shalt  }
0x6d: {  	_ =	shalt  }
0x6e: {  	_ =	shalt  }
0x6f: {  	_ =	shalt  }
0x70: {  	_ =	shalt  }
0x71: {  	_ =	shalt  }
0x72: {  	_ =	shalt  }
0x73: {  	_ =	shalt  }
0x74: {  	_ =	shalt  }
0x75: {  	_ =	shalt  }
0x76: {  	_ =	shalt  }
0x77: {  	_ =	shalt  }
0x78: {  	_ =	shalt  }
0x79: {  	_ =	shalt  }
0x7a: {  	_ =	shalt  }
0x7b: {  	_ =	shalt  }
0x7c: {  	_ =	shalt  }
0x7d: {  	_ =	shalt  }
0x7e: {  	_ =	shalt  }
0x7f: {  	_ =	shalt  }
0x80: {  	_ =	shalt  }
0x81: {  	_ =	shalt  }
0x82: {  	_ =	shalt  }
0x83: {  	_ =	shalt  }
0x84: {  	_ =	shalt  }
0x85: {  	_ =	shalt  }
0x86: {  	_ =	shalt  }
0x87: {  	_ =	shalt  }
.Lfunc_end0:
.L_simem_size_0:
called_computation_lowered:
.L_overlay_start_0:
0x88: {  	s2 =	sld [smem:$0x3FD9]  }
0x89: {  	s3 =	sld [smem:$0x3FFE];
	_ =	sdelay $0x1  }
0x8a: {  	s1 =	srdreg.scid  }
0x8b: {  	s0 =	sand.u32 $0x1, s1  }
0x8c: {  	s16 =	sshll.u32 s0, $0xA;
	s2 =	sadd.s32 s3, s2  }
0x8d: {  	s2 =	sadd.s32 s2, s16  }
0x8e: {  	[smem:$0x3FC2] =	sst s2  }
0x8f: {  	_ = 	snop  }
0x90: {  	(tm) =	ssettm $0x1  }
0x91: {  	s17 =	sld [smem:$0x3FFB];
	_ =	sdelay $0x3  }
0x92: {  	_ =	strace s17  }
0x93: {  	s2 =	sld [smem:$0x3FFC];
	_ =	sdelay $0x3  }
0x94: {  	_ =	strace s2  }
0x95: {  	s2 =	sld [smem:$0x3FFD];
	_ =	sdelay $0x3  }
0x96: {  	_ =	strace s2  }
0x97: {  	_ =	strace $0x8FFFFFFF  }
0x98: {  	s18 =	sld [smem:$0x3FDB];
	_ =	sdelay $0x1  }
0x99: {  	s19 =	simm.s32 $_scs_section_size  }
0x9a: {  	s4 =	simm.s32 $_size__tile_overlayer_lowered;
	s5 =	simm.s32 $_tile_overlayer_lowered  }
0x9b: {  	s22 =	simm.s32 $0x1BFF;
	s21 =	sshll.u32 s5, $0x1;
	s2 =	sadd.s32 s19, s18  }
0x9c: {  	s6 =	simm.s32 $0x0;
	s20 =	sshll.u32 s4, $0x1;
	s4 =	sadd.s32 s21, s2  }
0x9d: {  	[timem:s6], [sflag:s22] =	dma.local [hbm:s4], s20  }
0x9e: {  	_ =	swait.ge [sflag:s22], s20  }
0x9f: {  	s3 =	ssub.s32 $0x0, s20;
	[sflag:s22] =	ssyncset.done $0x0  }
0xa0: {  	[sflag:s22] =	ssyncadd.s32 s3;
	_ =	sdelay $0x1  }
0xa1: {  	s23 =	simm.s32 $0x1B8B  }
0xa2: {  	_ =	swait.ge [sflag:s23], $0x1  }
0xa3: {  	[sflag:s23] =	ssyncset.done $0x0  }
0xa4: {  	s25 =	simm.s32 $0x1B8E;
	s24 =	sld [smem:$0x3FFE];
	[sflag:s23] =	ssyncadd.s32 $0xFFFFFFFF  }
0xa5: {  	s26 =	simm.s32 $execute0_lowered;
	[smem:$0x3FD2] =	sst s25  }
0xa6: {  	s4 =	sshll.u32 s26, $0x1;
	_ =	strace $0x80000046;
	[dreg:$0x1] =	wrdreg $0xFFFFFFFF  }
0xa7: {  	s28 =	simm.s32 $_size_execute0_lowered;
	s2 =	sadd.s32 s2, s4;
	[dreg:$0x0] =	wrdreg $0x0  }
0xa8: {  	s4 =	sshll.u32 s28, $0x1;
	[dreg:$0x2] =	wrdreg s2  }
0xa9: {  	[dreg:$0x3] =	wrdreg s4  }
0xaa: {  	[dreg:$0x4] =	wrdreg $0xC0  }
0xab: {  	_ =	task [dreg:s6], $0x5FFFF  }
0xac: {  	[dreg:$0x1] =	wrdreg $0xFFFFFFFF  }
0xad: {  	[dreg:$0x0] =	wrdreg $0x60  }
0xae: {  	[dreg:$0x2] =	wrdreg s24  }
0xaf: {  	[dreg:$0x3] =	wrdreg $0x4E200  }
0xb0: {  	[dreg:$0x4] =	wrdreg $0x9  }
0xb1: {  	_ =	task.clear_ibuf [dreg:s6], $0x5FFFF;
	_ =	strace $0x90000046  }
0xb2: {  	s29 =	simm.s32 $0x9;
	_ =	strace $0x80000048  }
0xb3: {  	_ =	swait.ge [sflag:s29], $0x1  }
0xb4: {  	[sflag:s29] =	ssyncadd.s32 $0xFFFFFFFF  }
0xb5: {  	_ =	strace $0x90000048  }
0xb6: {  	_ =	sfence  }
0xb7: {  	s30 =	sld [smem:$0x0];
	_ =	sdelay $0x2  }
0xb8: {  	s31 =	sshll.u32 s1, $0xD;
	s1 =	sshrl.u32 s1, $0x2  }
0xb9: {  	s3 =	sand.u32 $0x4000, s31;
	s1 =	sadd.s32 s1, s30  }
0xba: {  	s0 =	sor.u32 s3, s0;
	s1 =	sshll.u32 s1, $0x11  }
0xbb: {  	s0 =	sor.u32 s1, s0  }
0xbc: {  	s0 =	sadd.s32 $0x8F2B, s0  }
0xbd: {  	[sflag:s0] =	ssyncadd.remote.s32 $0x1  }
0xbe: {  	_ =	sfence.sel $0xFFFF  }
0xbf: {  	[dreg:$0x0] =	wrdreg $0xFFFFFFFF;
	(pc) =	sbr.abs _section_cstart, $3  }
0xc0: {  	[dreg:$0x1] =	wrdreg $0xFFFFFFFF  }
0xc1: {  	_ =	task.clear_ibuf [dreg:s6], $0x2FFFF;
	_ =	strace $0x9FFFFFFF  }
0xc2: {  	(tm) =	ssettm $0x7FFFFFFF  }
0xc3: {  	_ =	shalt  }
tec
execute0_lowered:
.L_overlay_start_1:
0x0: {  	(tag) =	ssettag $0x1  }
0x1: {  	s1 =	srdreg.scid  }
0x2: {  	s0 =	stileid.u32;
	s5 =	rddreg [dreg:$0x0]  }
0x3: {  	s2 =	rddreg [dreg:$0x1];
	s3 =	simm.s32 $0x0;
	s12 =	simm.s32 $0x2710  }
0x4: {  	s14 =	simm.s32 $0x0;
	s4 =	sand.u32 $0x1, s1;
	s31 =	sshll.u32 s0, $0x1  }
0x5: {  	s7 =	smul.u32 $0x280, s0;
	[smem:$0x7FF] =	sst s3;
	s13 =	sshll.u32 s0, $0x6  }
0x6: {  	s1 =	sor.u32 s4, s31;
	s8 =	smul.u32 $0x2800, s4;
	s4 =	ssub.s32 $0x2, s4  }
0x7: {  	s6 =	smul.u32 $0x4E2, s1;
	s1 =	rddreg [dreg:$0x2];
	_ =	strace $0x80000047  }
0x8: {  	s9 =	sshrl.u32 s7, $0x3;
	s10 =	sshrl.u32 s4, $0x1;
	s11 =	sadd.s32 s7, s2  }
0x9: {  	s8 =	sadd.s32 s7, s8;
	s9 =	sadd.s32 s9, s5;
	s10 =	ssub.s32 s4, s10  }
0xa: {  	s6 =	sadd.s32 s6, s5;
	s8 =	sshrl.u32 s8, $0x3;
	s4 =	sadd.s32 $0x14A00, s9  }
0xb: {  	s9 =	sshrl.u32 s11, $0x3;
	s11 =	simm.s32 $0x1;
	s8 =	sadd.s32 s8, s5  }
0xc: {  	s5 =	sor.u32 $0x1C01, s13;
	s6 =	sadd.s32 $0xAC00, s6;
	s13 =	sor.u32 $0x1C02, s13  }
0xd: {  	v0 =	vimm.f32 $1.000000000e+00;
	s7 =	sadd.s32 $0x15000, s8;
	s8 =	smax.u32 s10, $0x1;
	s10 =	simm.s32 $0x2  }
.LBB2_1:
0xe: {  	[spmem:s9], [sflag:s5] =	dma.local [hbm:s4], $0x50  }
0xf: {  	[tilespmem:s3], [sflag:$0x2] =	stream.linear.gather [hbm4b:s6+s3], $0x2710, $0x38;
	[tilespmem:$0x50A0] =	vst v63  }
0x10: {  	_ =	swait.ge [sflag:s10], $0x2710  }
0x11: {  	[sflag:s10] =	ssyncset.done $0x0  }
0x12: {  	s15 =	simm.s32 $0x40;
	s16 =	simm.s32 $0x0;
	[sflag:s10] =	ssyncadd.s32 $0xFFFFD8F0  }
.LBB2_2:
0x13: {  	p0 =	sne.s32 s15, $0x9C00;
	[tilespmem:s16+$0x2710] =	vst v0;
	s16 =	smov.u32 s15;
	s15 =	sadd.s32 $0x40, s15  }
.Ltmp0:
0x14: {  	(pc) =	sbr.rel @p0 .LBB2_2-.Ltmp0, $2  }
0x15: {  	_ =	sdelay $0x2  }
0x16: {  	s16 =	sshra.s32 s16, $0x2  }
0x17: {  	[tilespmem:s16+$0x2710] =	vst v0  }
0x18: {  	_ =	swait.ge [sflag:s11], $0x50  }
0x19: {  	[sflag:s11] =	ssyncset.done $0x0  }
0x1a: {  	[sflag:s11] =	ssyncadd.s32 $0xFFFFFFB0  }
0x1b: {  	[bflag:$0x0] =	sbarrier.arrive $0xFFFF  }
0x1c: {  	[spmem:s2] =	stream.indirect.scatter.add.f32 [tilespmem:s12], [sflag:$0x2], $0x1, s3, s12, $0xb8;
	[tilespmem:$0x50A0] =	vst v63  }
0x1d: {  	_ =	swait.ge [sflag:s10], $0x2710  }
0x1e: {  	s14 =	sadd.s32 $0x1, s14;
	[sflag:s10] =	ssyncset.done $0x0  }
0x1f: {  	p0 =	sne.s32 s14, s8;
	[sflag:s10] =	ssyncadd.s32 $0xFFFFD8F0  }
.Ltmp1:
0x20: {  	[bflag:$0x0] =	sbarrier.arrive $0xFFFF;
	(pc) =	sbr.rel @p0 .LBB2_1-.Ltmp1, $4  }
0x21: {  	[hbm:s7], [sflag:s13] =	dma.local [spmem:s9], $0x50  }
0x22: {  	_ =	swait.ge [sflag:s10], $0x50  }
0x23: {  	[sflag:s10] =	ssyncset.done $0x0  }
0x24: {  	[sflag:s10] =	ssyncadd.s32 $0xFFFFFFB0  }
0x25: {  	_ =	sfence.sel $0x180000  }
0x26: {  	[bflag:$0x0] =	sbarrier.arrive $0xFFFF  }
0x27: {  	p0 =	sne.s32 s0, $0x0;
	_ =	strace $0x90000047  }
0x28: {  	s0 =	sadd.s32 @!p0 $0x100000, s1;
	[bflag:$0x2] =	sbarrier.arrive $0xFFFF  }
0x29: {  	[sflag:s0] =	ssyncadd.tile.s32 @!p0 $0x1;
	_ =	shalt  }
.Lfunc_end2:
_tile_overlayer_lowered:
.L_overlay_start_2:
0x2a: {  	(tag) =	ssettag $0x2  }
0x2b: {  	s0 =	rddreg [dreg:$0x0];
	s2 =	stileid.u32  }
0x2c: {  	s1 =	rddreg [dreg:$0x1];
	p0 =	sne.s32 s2, $0x0  }
0x2d: {  	s3 =	rddreg [dreg:$0x2];
	[bflag:$0x3] =	sbarrier.arrive $0xFFFF;
	s2 =	simm.s32 @!p0 $0x1C02  }
0x2e: {  	[timem:s3], [sflag:s2] =	dma.local @!p0 [hbm:s0], s1  }
0x2f: {  	s0 =	simm.s32 @!p0 $0x2  }
0x30: {  	_ =	swait.ge @!p0 [sflag:s0], s1  }
0x31: {  	s1 =	ssub.s32 @!p0 $0x0, s1;
	[sflag:s0] =	ssyncset.done @!p0 $0x0  }
0x32: {  	[sflag:s0] =	ssyncadd.s32 @!p0 s1  }
0x33: {  	[bflag:$0x3] =	sbarrier.arrive $0xFFFF  }
0x34: {  	_ =	shalt  }

</sc_bundles>
